<compile_context>
chip_gen: v7x
topology: tpu7x:2x2x1
jax: 0.10.2.dev20260603
libtpu: 0.0.44.dev20260713+nightly
codegen_flags: <defaults>
</compile_context>

<pallas_src>
import functools

import jax
import jax.numpy as jnp
from jax import lax
from jax.experimental import pallas as pl
from jax.experimental.pallas import tpu as pltpu
from jax.experimental.pallas import tpu_sc as plsc

_VOCAB = 100000
_D = 128
_BATCH = 1024
_SEQ = 200
_N = _BATCH * _SEQ
_NC = 2
_NS = 16
_NW = _NC * _NS
_PER_W = _N // _NW
_C = 64
_NCH = _PER_W // _C
_NBUF = 10
_K = 5


@functools.cache
def _build():
    mesh = plsc.VectorSubcoreMesh(core_axis_name="c", subcore_axis_name="s")

    @functools.partial(
        pl.kernel,
        mesh=mesh,
        out_type=jax.ShapeDtypeStruct((_N, _D), jnp.float32),
        scratch_types=[
            pltpu.VMEM((_NCH, _C), jnp.int32),
            pltpu.VMEM((_NBUF, _C, _D), jnp.float32),
            [pltpu.SemaphoreType.DMA] * _NBUF,
            [pltpu.SemaphoreType.DMA] * _NBUF,
        ],
    )
    def gather_kernel(x_hbm, table_hbm, out_hbm, idx_v, rows_v, gsems, ssems):
        wid = lax.axis_index("s") * _NC + lax.axis_index("c")
        base = wid * _PER_W
        pltpu.sync_copy(x_hbm.at[wid], idx_v)

        def start_gather(j, b):
            pltpu.async_copy(table_hbm.at[idx_v.at[j]], rows_v.at[b], gsems[b])

        def wait_gather(b):
            pltpu.make_async_copy(
                table_hbm.at[idx_v.at[0]], rows_v.at[b], gsems[b]).wait()

        def start_scatter(j, b):
            pltpu.async_copy(
                rows_v.at[b], out_hbm.at[pl.ds(base + j * _C, _C)], ssems[b])

        def wait_scatter(b):
            pltpu.make_async_copy(
                rows_v.at[b], out_hbm.at[pl.ds(base, _C)], ssems[b]).wait()

        for j in range(_NBUF):
            start_gather(j, j)
            if j >= _K:
                wait_gather(j - _K)
                start_scatter(j - _K, j - _K)

        @pl.loop(_NBUF, _NCH, step=_NBUF)
        def _grp(j0):
            for b in range(_NBUF):
                j = j0 + b
                wait_scatter(b)
                start_gather(j, b)
                bo = (b - _K) % _NBUF
                wait_gather(bo)
                start_scatter(j - _K, bo)

        for j in range(_NCH, _NCH + _K):
            bo = (j - _K) % _NBUF
            wait_gather(bo)
            start_scatter(j - _K, bo)
        for b in range(_NBUF):
            wait_scatter(b)

    return gather_kernel


def kernel(x, table):
    x_w = x.reshape(_NW, _NCH, _C)
    out = _build()(x_w, table)
    return out.reshape(_BATCH, _SEQ, _D)

# --- scband reference (transcript-rebuilt; emitter-appended) ---
"""Pipeline reference for scband-gene-encoder-74861279969421 (READ-ONLY COPY).

The authoritative reference and input builder live on the scoring server;
editing this copy changes nothing except your own understanding.
"""

import jax, jax.numpy as jnp
import numpy as np

VOCAB = 100000
D_MODEL = 128
BATCH = 1024
SEQ = 200


def setup_inputs(seed: int = 0) -> dict:
    key = jax.random.key(seed)
    k1, k2 = jax.random.split(key)
    x = jax.random.randint(k1, (BATCH, SEQ), 0, VOCAB, dtype=jnp.int32)
    # nn.Embedding weight: N(0, 1) init
    table = jax.random.normal(k2, (VOCAB, D_MODEL), dtype=jnp.float32)
    return {"x": x, "table": table}


def reference(x, table):
    # GeneEncoder.forward with no extra_embeddings and use_norm=False:
    #   reps = [embedding(x)] -> single rep, no concat
    #   project = Identity
    out = jnp.take(table, x, axis=0)
    return out

if __name__ == "__main__":
    import jax
    _d = setup_inputs()
    print(jax.jit(kernel)(*tuple(_d.values())))

</pallas_src>

<mosaic_0001>
#map = affine_map<(d0, d1) -> (0, 0, 0)>
#map1 = affine_map<(d0, d1) -> (0, 0)>
module attributes {stable_mosaic.version = 14 : i64} {
  func.func @gather_kernel(%arg0: i32, %arg1: i32, %arg2: memref<32x100x64xi32, #tpu.memory_space<hbm>>, %arg3: memref<100000x128xf32, #tpu.memory_space<hbm>>, %arg4: memref<204800x128xf32, #tpu.memory_space<hbm>>, %arg5: memref<100x64xi32, #tpu.memory_space<vmem>>, %arg6: memref<10x64x128xf32, #tpu.memory_space<vmem>>, %arg7: memref<!tpu.dma_semaphore, #tpu.memory_space<semaphore_mem>>, %arg8: memref<!tpu.dma_semaphore, #tpu.memory_space<semaphore_mem>>, %arg9: memref<!tpu.dma_semaphore, #tpu.memory_space<semaphore_mem>>, %arg10: memref<!tpu.dma_semaphore, #tpu.memory_space<semaphore_mem>>, %arg11: memref<!tpu.dma_semaphore, #tpu.memory_space<semaphore_mem>>, %arg12: memref<!tpu.dma_semaphore, #tpu.memory_space<semaphore_mem>>, %arg13: memref<!tpu.dma_semaphore, #tpu.memory_space<semaphore_mem>>, %arg14: memref<!tpu.dma_semaphore, #tpu.memory_space<semaphore_mem>>, %arg15: memref<!tpu.dma_semaphore, #tpu.memory_space<semaphore_mem>>, %arg16: memref<!tpu.dma_semaphore, #tpu.memory_space<semaphore_mem>>, %arg17: memref<!tpu.dma_semaphore, #tpu.memory_space<semaphore_mem>>, %arg18: memref<!tpu.dma_semaphore, #tpu.memory_space<semaphore_mem>>, %arg19: memref<!tpu.dma_semaphore, #tpu.memory_space<semaphore_mem>>, %arg20: memref<!tpu.dma_semaphore, #tpu.memory_space<semaphore_mem>>, %arg21: memref<!tpu.dma_semaphore, #tpu.memory_space<semaphore_mem>>, %arg22: memref<!tpu.dma_semaphore, #tpu.memory_space<semaphore_mem>>, %arg23: memref<!tpu.dma_semaphore, #tpu.memory_space<semaphore_mem>>, %arg24: memref<!tpu.dma_semaphore, #tpu.memory_space<semaphore_mem>>, %arg25: memref<!tpu.dma_semaphore, #tpu.memory_space<semaphore_mem>>, %arg26: memref<!tpu.dma_semaphore, #tpu.memory_space<semaphore_mem>>) attributes {dimension_semantics = [#tpu.dimension_semantics<core_parallel>, #tpu.dimension_semantics<subcore_parallel>], iteration_bounds = array<i64: 2, 16>, scalar_prefetch = 0 : i64, scratch_operands = 22 : i64, tpu.core_type = #tpu.core_type<sc_vector_subcore>, window_params = [{transform_indices = #map}, {transform_indices = #map1}, {transform_indices = #map1}]} {
    %mul3A = arith.constant 2 : i32
    %mul3A_0 = arith.muli %arg1, %mul3A : i32
    %add3A = arith.addi %mul3A_0, %arg0 : i32
    %mul3A_1 = arith.constant 6400 : i32
    %mul3A_2 = arith.muli %add3A, %mul3A_1 : i32
    "tpu.region"() ({
      %run_scoped3A = tpu.sem_alloc : memref<!tpu.dma_semaphore, #tpu.memory_space<semaphore_mem>>
      %dma_start3A_525 = arith.constant 0 : i32
      %dma_start3A_526 = arith.constant 0 : i32
      %dma_start3A_527 = tpu.memref_slice %arg2[%add3A, %dma_start3A_525, %dma_start3A_526] : memref<32x100x64xi32, #tpu.memory_space<hbm>> -> memref<1x100x64xi32, #tpu.memory_space<hbm>>
      %dma_start3A_528 = tpu.memref_squeeze %dma_start3A_527 : memref<1x100x64xi32, #tpu.memory_space<hbm>> -> memref<100x64xi32, #tpu.memory_space<hbm>>
      %dma_start3A_529 = arith.constant 0 : i32
      %dma_start3A_530 = arith.constant 0 : i32
      %dma_start3A_531 = tpu.memref_slice %arg2[%add3A, %dma_start3A_529, %dma_start3A_530] : memref<32x100x64xi32, #tpu.memory_space<hbm>> -> memref<1x100x64xi32, #tpu.memory_space<hbm>>
      %dma_start3A_532 = tpu.memref_squeeze %dma_start3A_531 : memref<1x100x64xi32, #tpu.memory_space<hbm>> -> memref<100x64xi32, #tpu.memory_space<hbm>>
      tpu.enqueue_dma source(%dma_start3A_532 : memref<100x64xi32, #tpu.memory_space<hbm>>) target(%arg5 : memref<100x64xi32, #tpu.memory_space<vmem>>) target_semaphore(%run_scoped3A : memref<!tpu.dma_semaphore, #tpu.memory_space<semaphore_mem>>)
      %dma_wait3A_533 = arith.constant 0 : i32
      %dma_wait3A_534 = arith.constant 0 : i32
      %dma_wait3A_535 = tpu.memref_slice %arg2[%add3A, %dma_wait3A_533, %dma_wait3A_534] : memref<32x100x64xi32, #tpu.memory_space<hbm>> -> memref<1x100x64xi32, #tpu.memory_space<hbm>>
      %dma_wait3A_536 = tpu.memref_squeeze %dma_wait3A_535 : memref<1x100x64xi32, #tpu.memory_space<hbm>> -> memref<100x64xi32, #tpu.memory_space<hbm>>
      %dma_wait3A_537 = arith.constant 0 : i32
      %dma_wait3A_538 = arith.constant 0 : i32
      %dma_wait3A_539 = tpu.memref_slice %arg2[%add3A, %dma_wait3A_537, %dma_wait3A_538] : memref<32x100x64xi32, #tpu.memory_space<hbm>> -> memref<1x100x64xi32, #tpu.memory_space<hbm>>
      %dma_wait3A_540 = tpu.memref_squeeze %dma_wait3A_539 : memref<1x100x64xi32, #tpu.memory_space<hbm>> -> memref<100x64xi32, #tpu.memory_space<hbm>>
      tpu.wait_dma2 semaphore(%run_scoped3A : memref<!tpu.dma_semaphore, #tpu.memory_space<semaphore_mem>>) src(%dma_wait3A_540 : memref<100x64xi32, #tpu.memory_space<hbm>>) dst(%arg5 : memref<100x64xi32, #tpu.memory_space<vmem>>)
      tpu.yield
    }) : () -> ()
    %dma_start3A = arith.constant 0 : i32
    %dma_start3A_3 = arith.constant 0 : i32
    %dma_start3A_4 = arith.constant 0 : i32
    %dma_start3A_5 = arith.constant 0 : i32
    %dma_start3A_6 = tpu.memref_slice %arg6[%dma_start3A_3, %dma_start3A_4, %dma_start3A_5] : memref<10x64x128xf32, #tpu.memory_space<vmem>> -> memref<1x64x128xf32, #tpu.memory_space<vmem>>
    %dma_start3A_7 = tpu.memref_squeeze %dma_start3A_6 : memref<1x64x128xf32, #tpu.memory_space<vmem>> -> memref<64x128xf32, #tpu.memory_space<vmem>>
    %dma_start3A_8 = arith.constant 0 : i32
    %dma_start3A_9 = tpu.memref_slice %arg5[%dma_start3A, %dma_start3A_8] : memref<100x64xi32, #tpu.memory_space<vmem>> -> memref<1x64xi32, #tpu.memory_space<vmem>>
    %dma_start3A_10 = tpu.memref_squeeze %dma_start3A_9 : memref<1x64xi32, #tpu.memory_space<vmem>> -> memref<64xi32, #tpu.memory_space<vmem>>
    %dma_start3A_11 = arith.constant 0 : i32
    %dma_start3A_12 = arith.constant 0 : i32
    %dma_start3A_13 = tpu.memref_slice %arg3[%dma_start3A_11, %dma_start3A_12] : memref<100000x128xf32, #tpu.memory_space<hbm>> -> memref<100000x128xf32, #tpu.memory_space<hbm>>
    tpu.enqueue_indirect_dma source(%dma_start3A_13 : memref<100000x128xf32, #tpu.memory_space<hbm>>) target(%dma_start3A_7 : memref<64x128xf32, #tpu.memory_space<vmem>>) offsets(%dma_start3A_10 : memref<64xi32, #tpu.memory_space<vmem>>) semaphore(%arg7 : memref<!tpu.dma_semaphore, #tpu.memory_space<semaphore_mem>>)
    %dma_start3A_14 = arith.constant 1 : i32
    %dma_start3A_15 = arith.constant 1 : i32
    %dma_start3A_16 = arith.constant 0 : i32
    %dma_start3A_17 = arith.constant 0 : i32
    %dma_start3A_18 = tpu.memref_slice %arg6[%dma_start3A_15, %dma_start3A_16, %dma_start3A_17] : memref<10x64x128xf32, #tpu.memory_space<vmem>> -> memref<1x64x128xf32, #tpu.memory_space<vmem>>
    %dma_start3A_19 = tpu.memref_squeeze %dma_start3A_18 : memref<1x64x128xf32, #tpu.memory_space<vmem>> -> memref<64x128xf32, #tpu.memory_space<vmem>>
    %dma_start3A_20 = arith.constant 0 : i32
    %dma_start3A_21 = tpu.memref_slice %arg5[%dma_start3A_14, %dma_start3A_20] : memref<100x64xi32, #tpu.memory_space<vmem>> -> memref<1x64xi32, #tpu.memory_space<vmem>>
    %dma_start3A_22 = tpu.memref_squeeze %dma_start3A_21 : memref<1x64xi32, #tpu.memory_space<vmem>> -> memref<64xi32, #tpu.memory_space<vmem>>
    %dma_start3A_23 = arith.constant 0 : i32
    %dma_start3A_24 = arith.constant 0 : i32
    %dma_start3A_25 = tpu.memref_slice %arg3[%dma_start3A_23, %dma_start3A_24] : memref<100000x128xf32, #tpu.memory_space<hbm>> -> memref<100000x128xf32, #tpu.memory_space<hbm>>
    tpu.enqueue_indirect_dma source(%dma_start3A_25 : memref<100000x128xf32, #tpu.memory_space<hbm>>) target(%dma_start3A_19 : memref<64x128xf32, #tpu.memory_space<vmem>>) offsets(%dma_start3A_22 : memref<64xi32, #tpu.memory_space<vmem>>) semaphore(%arg8 : memref<!tpu.dma_semaphore, #tpu.memory_space<semaphore_mem>>)
    %dma_start3A_26 = arith.constant 2 : i32
    %dma_start3A_27 = arith.constant 2 : i32
    %dma_start3A_28 = arith.constant 0 : i32
    %dma_start3A_29 = arith.constant 0 : i32
    %dma_start3A_30 = tpu.memref_slice %arg6[%dma_start3A_27, %dma_start3A_28, %dma_start3A_29] : memref<10x64x128xf32, #tpu.memory_space<vmem>> -> memref<1x64x128xf32, #tpu.memory_space<vmem>>
    %dma_start3A_31 = tpu.memref_squeeze %dma_start3A_30 : memref<1x64x128xf32, #tpu.memory_space<vmem>> -> memref<64x128xf32, #tpu.memory_space<vmem>>
    %dma_start3A_32 = arith.constant 0 : i32
    %dma_start3A_33 = tpu.memref_slice %arg5[%dma_start3A_26, %dma_start3A_32] : memref<100x64xi32, #tpu.memory_space<vmem>> -> memref<1x64xi32, #tpu.memory_space<vmem>>
    %dma_start3A_34 = tpu.memref_squeeze %dma_start3A_33 : memref<1x64xi32, #tpu.memory_space<vmem>> -> memref<64xi32, #tpu.memory_space<vmem>>
    %dma_start3A_35 = arith.constant 0 : i32
    %dma_start3A_36 = arith.constant 0 : i32
    %dma_start3A_37 = tpu.memref_slice %arg3[%dma_start3A_35, %dma_start3A_36] : memref<100000x128xf32, #tpu.memory_space<hbm>> -> memref<100000x128xf32, #tpu.memory_space<hbm>>
    tpu.enqueue_indirect_dma source(%dma_start3A_37 : memref<100000x128xf32, #tpu.memory_space<hbm>>) target(%dma_start3A_31 : memref<64x128xf32, #tpu.memory_space<vmem>>) offsets(%dma_start3A_34 : memref<64xi32, #tpu.memory_space<vmem>>) semaphore(%arg9 : memref<!tpu.dma_semaphore, #tpu.memory_space<semaphore_mem>>)
    %dma_start3A_38 = arith.constant 3 : i32
    %dma_start3A_39 = arith.constant 3 : i32
    %dma_start3A_40 = arith.constant 0 : i32
    %dma_start3A_41 = arith.constant 0 : i32
    %dma_start3A_42 = tpu.memref_slice %arg6[%dma_start3A_39, %dma_start3A_40, %dma_start3A_41] : memref<10x64x128xf32, #tpu.memory_space<vmem>> -> memref<1x64x128xf32, #tpu.memory_space<vmem>>
    %dma_start3A_43 = tpu.memref_squeeze %dma_start3A_42 : memref<1x64x128xf32, #tpu.memory_space<vmem>> -> memref<64x128xf32, #tpu.memory_space<vmem>>
    %dma_start3A_44 = arith.constant 0 : i32
    %dma_start3A_45 = tpu.memref_slice %arg5[%dma_start3A_38, %dma_start3A_44] : memref<100x64xi32, #tpu.memory_space<vmem>> -> memref<1x64xi32, #tpu.memory_space<vmem>>
    %dma_start3A_46 = tpu.memref_squeeze %dma_start3A_45 : memref<1x64xi32, #tpu.memory_space<vmem>> -> memref<64xi32, #tpu.memory_space<vmem>>
    %dma_start3A_47 = arith.constant 0 : i32
    %dma_start3A_48 = arith.constant 0 : i32
    %dma_start3A_49 = tpu.memref_slice %arg3[%dma_start3A_47, %dma_start3A_48] : memref<100000x128xf32, #tpu.memory_space<hbm>> -> memref<100000x128xf32, #tpu.memory_space<hbm>>
    tpu.enqueue_indirect_dma source(%dma_start3A_49 : memref<100000x128xf32, #tpu.memory_space<hbm>>) target(%dma_start3A_43 : memref<64x128xf32, #tpu.memory_space<vmem>>) offsets(%dma_start3A_46 : memref<64xi32, #tpu.memory_space<vmem>>) semaphore(%arg10 : memref<!tpu.dma_semaphore, #tpu.memory_space<semaphore_mem>>)
    %dma_start3A_50 = arith.constant 4 : i32
    %dma_start3A_51 = arith.constant 4 : i32
    %dma_start3A_52 = arith.constant 0 : i32
    %dma_start3A_53 = arith.constant 0 : i32
    %dma_start3A_54 = tpu.memref_slice %arg6[%dma_start3A_51, %dma_start3A_52, %dma_start3A_53] : memref<10x64x128xf32, #tpu.memory_space<vmem>> -> memref<1x64x128xf32, #tpu.memory_space<vmem>>
    %dma_start3A_55 = tpu.memref_squeeze %dma_start3A_54 : memref<1x64x128xf32, #tpu.memory_space<vmem>> -> memref<64x128xf32, #tpu.memory_space<vmem>>
    %dma_start3A_56 = arith.constant 0 : i32
    %dma_start3A_57 = tpu.memref_slice %arg5[%dma_start3A_50, %dma_start3A_56] : memref<100x64xi32, #tpu.memory_space<vmem>> -> memref<1x64xi32, #tpu.memory_space<vmem>>
    %dma_start3A_58 = tpu.memref_squeeze %dma_start3A_57 : memref<1x64xi32, #tpu.memory_space<vmem>> -> memref<64xi32, #tpu.memory_space<vmem>>
    %dma_start3A_59 = arith.constant 0 : i32
    %dma_start3A_60 = arith.constant 0 : i32
    %dma_start3A_61 = tpu.memref_slice %arg3[%dma_start3A_59, %dma_start3A_60] : memref<100000x128xf32, #tpu.memory_space<hbm>> -> memref<100000x128xf32, #tpu.memory_space<hbm>>
    tpu.enqueue_indirect_dma source(%dma_start3A_61 : memref<100000x128xf32, #tpu.memory_space<hbm>>) target(%dma_start3A_55 : memref<64x128xf32, #tpu.memory_space<vmem>>) offsets(%dma_start3A_58 : memref<64xi32, #tpu.memory_space<vmem>>) semaphore(%arg11 : memref<!tpu.dma_semaphore, #tpu.memory_space<semaphore_mem>>)
    %dma_start3A_62 = arith.constant 5 : i32
    %dma_start3A_63 = arith.constant 5 : i32
    %dma_start3A_64 = arith.constant 0 : i32
    %dma_start3A_65 = arith.constant 0 : i32
    %dma_start3A_66 = tpu.memref_slice %arg6[%dma_start3A_63, %dma_start3A_64, %dma_start3A_65] : memref<10x64x128xf32, #tpu.memory_space<vmem>> -> memref<1x64x128xf32, #tpu.memory_space<vmem>>
    %dma_start3A_67 = tpu.memref_squeeze %dma_start3A_66 : memref<1x64x128xf32, #tpu.memory_space<vmem>> -> memref<64x128xf32, #tpu.memory_space<vmem>>
    %dma_start3A_68 = arith.constant 0 : i32
    %dma_start3A_69 = tpu.memref_slice %arg5[%dma_start3A_62, %dma_start3A_68] : memref<100x64xi32, #tpu.memory_space<vmem>> -> memref<1x64xi32, #tpu.memory_space<vmem>>
    %dma_start3A_70 = tpu.memref_squeeze %dma_start3A_69 : memref<1x64xi32, #tpu.memory_space<vmem>> -> memref<64xi32, #tpu.memory_space<vmem>>
    %dma_start3A_71 = arith.constant 0 : i32
    %dma_start3A_72 = arith.constant 0 : i32
    %dma_start3A_73 = tpu.memref_slice %arg3[%dma_start3A_71, %dma_start3A_72] : memref<100000x128xf32, #tpu.memory_space<hbm>> -> memref<100000x128xf32, #tpu.memory_space<hbm>>
    tpu.enqueue_indirect_dma source(%dma_start3A_73 : memref<100000x128xf32, #tpu.memory_space<hbm>>) target(%dma_start3A_67 : memref<64x128xf32, #tpu.memory_space<vmem>>) offsets(%dma_start3A_70 : memref<64xi32, #tpu.memory_space<vmem>>) semaphore(%arg12 : memref<!tpu.dma_semaphore, #tpu.memory_space<semaphore_mem>>)
    %dma_wait3A = arith.constant 0 : i32
    %dma_wait3A_74 = arith.constant 0 : i32
    %dma_wait3A_75 = arith.constant 0 : i32
    %dma_wait3A_76 = arith.constant 0 : i32
    %dma_wait3A_77 = tpu.memref_slice %arg6[%dma_wait3A_74, %dma_wait3A_75, %dma_wait3A_76] : memref<10x64x128xf32, #tpu.memory_space<vmem>> -> memref<1x64x128xf32, #tpu.memory_space<vmem>>
    %dma_wait3A_78 = tpu.memref_squeeze %dma_wait3A_77 : memref<1x64x128xf32, #tpu.memory_space<vmem>> -> memref<64x128xf32, #tpu.memory_space<vmem>>
    %dma_wait3A_79 = arith.constant 0 : i32
    %dma_wait3A_80 = tpu.memref_slice %arg5[%dma_wait3A, %dma_wait3A_79] : memref<100x64xi32, #tpu.memory_space<vmem>> -> memref<1x64xi32, #tpu.memory_space<vmem>>
    %dma_wait3A_81 = tpu.memref_squeeze %dma_wait3A_80 : memref<1x64xi32, #tpu.memory_space<vmem>> -> memref<64xi32, #tpu.memory_space<vmem>>
    %dma_wait3A_82 = arith.constant 0 : i32
    %dma_wait3A_83 = arith.constant 0 : i32
    %dma_wait3A_84 = tpu.memref_slice %arg3[%dma_wait3A_82, %dma_wait3A_83] : memref<100000x128xf32, #tpu.memory_space<hbm>> -> memref<100000x128xf32, #tpu.memory_space<hbm>>
    tpu.wait_indirect_dma semaphore(%arg7 : memref<!tpu.dma_semaphore, #tpu.memory_space<semaphore_mem>>) src(%dma_wait3A_84 : memref<100000x128xf32, #tpu.memory_space<hbm>>) dst(%dma_wait3A_78 : memref<64x128xf32, #tpu.memory_space<vmem>>)
    %add3A_85 = arith.constant 0 : i32
    %add3A_86 = arith.addi %mul3A_2, %add3A_85 : i32
    %dma_start3A_87 = arith.constant 0 : i32
    %dma_start3A_88 = arith.constant 0 : i32
    %dma_start3A_89 = arith.constant 0 : i32
    %dma_start3A_90 = tpu.memref_slice %arg6[%dma_start3A_87, %dma_start3A_88, %dma_start3A_89] : memref<10x64x128xf32, #tpu.memory_space<vmem>> -> memref<1x64x128xf32, #tpu.memory_space<vmem>>
    %dma_start3A_91 = tpu.memref_squeeze %dma_start3A_90 : memref<1x64x128xf32, #tpu.memory_space<vmem>> -> memref<64x128xf32, #tpu.memory_space<vmem>>
    %dma_start3A_92 = arith.constant 0 : i32
    %dma_start3A_93 = tpu.memref_slice %arg4[%add3A_86, %dma_start3A_92] : memref<204800x128xf32, #tpu.memory_space<hbm>> -> memref<64x128xf32, #tpu.memory_space<hbm>>
    %dma_start3A_94 = arith.constant 0 : i32
    %dma_start3A_95 = tpu.memref_slice %arg4[%add3A_86, %dma_start3A_94] : memref<204800x128xf32, #tpu.memory_space<hbm>> -> memref<64x128xf32, #tpu.memory_space<hbm>>
    %dma_start3A_96 = arith.constant 0 : i32
    %dma_start3A_97 = arith.constant 0 : i32
    %dma_start3A_98 = tpu.memref_slice %arg6[%dma_start3A_87, %dma_start3A_96, %dma_start3A_97] : memref<10x64x128xf32, #tpu.memory_space<vmem>> -> memref<1x64x128xf32, #tpu.memory_space<vmem>>
    %dma_start3A_99 = tpu.memref_squeeze %dma_start3A_98 : memref<1x64x128xf32, #tpu.memory_space<vmem>> -> memref<64x128xf32, #tpu.memory_space<vmem>>
    tpu.enqueue_dma source(%dma_start3A_99 : memref<64x128xf32, #tpu.memory_space<vmem>>) target(%dma_start3A_95 : memref<64x128xf32, #tpu.memory_space<hbm>>) target_semaphore(%arg17 : memref<!tpu.dma_semaphore, #tpu.memory_space<semaphore_mem>>)
    %dma_start3A_100 = arith.constant 6 : i32
    %dma_start3A_101 = arith.constant 6 : i32
    %dma_start3A_102 = arith.constant 0 : i32
    %dma_start3A_103 = arith.constant 0 : i32
    %dma_start3A_104 = tpu.memref_slice %arg6[%dma_start3A_101, %dma_start3A_102, %dma_start3A_103] : memref<10x64x128xf32, #tpu.memory_space<vmem>> -> memref<1x64x128xf32, #tpu.memory_space<vmem>>
    %dma_start3A_105 = tpu.memref_squeeze %dma_start3A_104 : memref<1x64x128xf32, #tpu.memory_space<vmem>> -> memref<64x128xf32, #tpu.memory_space<vmem>>
    %dma_start3A_106 = arith.constant 0 : i32
    %dma_start3A_107 = tpu.memref_slice %arg5[%dma_start3A_100, %dma_start3A_106] : memref<100x64xi32, #tpu.memory_space<vmem>> -> memref<1x64xi32, #tpu.memory_space<vmem>>
    %dma_start3A_108 = tpu.memref_squeeze %dma_start3A_107 : memref<1x64xi32, #tpu.memory_space<vmem>> -> memref<64xi32, #tpu.memory_space<vmem>>
    %dma_start3A_109 = arith.constant 0 : i32
    %dma_start3A_110 = arith.constant 0 : i32
    %dma_start3A_111 = tpu.memref_slice %arg3[%dma_start3A_109, %dma_start3A_110] : memref<100000x128xf32, #tpu.memory_space<hbm>> -> memref<100000x128xf32, #tpu.memory_space<hbm>>
    tpu.enqueue_indirect_dma source(%dma_start3A_111 : memref<100000x128xf32, #tpu.memory_space<hbm>>) target(%dma_start3A_105 : memref<64x128xf32, #tpu.memory_space<vmem>>) offsets(%dma_start3A_108 : memref<64xi32, #tpu.memory_space<vmem>>) semaphore(%arg13 : memref<!tpu.dma_semaphore, #tpu.memory_space<semaphore_mem>>)
    %dma_wait3A_112 = arith.constant 0 : i32
    %dma_wait3A_113 = arith.constant 1 : i32
    %dma_wait3A_114 = arith.constant 0 : i32
    %dma_wait3A_115 = arith.constant 0 : i32
    %dma_wait3A_116 = tpu.memref_slice %arg6[%dma_wait3A_113, %dma_wait3A_114, %dma_wait3A_115] : memref<10x64x128xf32, #tpu.memory_space<vmem>> -> memref<1x64x128xf32, #tpu.memory_space<vmem>>
    %dma_wait3A_117 = tpu.memref_squeeze %dma_wait3A_116 : memref<1x64x128xf32, #tpu.memory_space<vmem>> -> memref<64x128xf32, #tpu.memory_space<vmem>>
    %dma_wait3A_118 = arith.constant 0 : i32
    %dma_wait3A_119 = tpu.memref_slice %arg5[%dma_wait3A_112, %dma_wait3A_118] : memref<100x64xi32, #tpu.memory_space<vmem>> -> memref<1x64xi32, #tpu.memory_space<vmem>>
    %dma_wait3A_120 = tpu.memref_squeeze %dma_wait3A_119 : memref<1x64xi32, #tpu.memory_space<vmem>> -> memref<64xi32, #tpu.memory_space<vmem>>
    %dma_wait3A_121 = arith.constant 0 : i32
    %dma_wait3A_122 = arith.constant 0 : i32
    %dma_wait3A_123 = tpu.memref_slice %arg3[%dma_wait3A_121, %dma_wait3A_122] : memref<100000x128xf32, #tpu.memory_space<hbm>> -> memref<100000x128xf32, #tpu.memory_space<hbm>>
    tpu.wait_indirect_dma semaphore(%arg8 : memref<!tpu.dma_semaphore, #tpu.memory_space<semaphore_mem>>) src(%dma_wait3A_123 : memref<100000x128xf32, #tpu.memory_space<hbm>>) dst(%dma_wait3A_117 : memref<64x128xf32, #tpu.memory_space<vmem>>)
    %add3A_124 = arith.constant 64 : i32
    %add3A_125 = arith.addi %mul3A_2, %add3A_124 : i32
    %dma_start3A_126 = arith.constant 1 : i32
    %dma_start3A_127 = arith.constant 0 : i32
    %dma_start3A_128 = arith.constant 0 : i32
    %dma_start3A_129 = tpu.memref_slice %arg6[%dma_start3A_126, %dma_start3A_127, %dma_start3A_128] : memref<10x64x128xf32, #tpu.memory_space<vmem>> -> memref<1x64x128xf32, #tpu.memory_space<vmem>>
    %dma_start3A_130 = tpu.memref_squeeze %dma_start3A_129 : memref<1x64x128xf32, #tpu.memory_space<vmem>> -> memref<64x128xf32, #tpu.memory_space<vmem>>
    %dma_start3A_131 = arith.constant 0 : i32
    %dma_start3A_132 = tpu.memref_slice %arg4[%add3A_125, %dma_start3A_131] : memref<204800x128xf32, #tpu.memory_space<hbm>> -> memref<64x128xf32, #tpu.memory_space<hbm>>
    %dma_start3A_133 = arith.constant 0 : i32
    %dma_start3A_134 = tpu.memref_slice %arg4[%add3A_125, %dma_start3A_133] : memref<204800x128xf32, #tpu.memory_space<hbm>> -> memref<64x128xf32, #tpu.memory_space<hbm>>
    %dma_start3A_135 = arith.constant 0 : i32
    %dma_start3A_136 = arith.constant 0 : i32
    %dma_start3A_137 = tpu.memref_slice %arg6[%dma_start3A_126, %dma_start3A_135, %dma_start3A_136] : memref<10x64x128xf32, #tpu.memory_space<vmem>> -> memref<1x64x128xf32, #tpu.memory_space<vmem>>
    %dma_start3A_138 = tpu.memref_squeeze %dma_start3A_137 : memref<1x64x128xf32, #tpu.memory_space<vmem>> -> memref<64x128xf32, #tpu.memory_space<vmem>>
    tpu.enqueue_dma source(%dma_start3A_138 : memref<64x128xf32, #tpu.memory_space<vmem>>) target(%dma_start3A_134 : memref<64x128xf32, #tpu.memory_space<hbm>>) target_semaphore(%arg18 : memref<!tpu.dma_semaphore, #tpu.memory_space<semaphore_mem>>)
    %dma_start3A_139 = arith.constant 7 : i32
    %dma_start3A_140 = arith.constant 7 : i32
    %dma_start3A_141 = arith.constant 0 : i32
    %dma_start3A_142 = arith.constant 0 : i32
    %dma_start3A_143 = tpu.memref_slice %arg6[%dma_start3A_140, %dma_start3A_141, %dma_start3A_142] : memref<10x64x128xf32, #tpu.memory_space<vmem>> -> memref<1x64x128xf32, #tpu.memory_space<vmem>>
    %dma_start3A_144 = tpu.memref_squeeze %dma_start3A_143 : memref<1x64x128xf32, #tpu.memory_space<vmem>> -> memref<64x128xf32, #tpu.memory_space<vmem>>
    %dma_start3A_145 = arith.constant 0 : i32
    %dma_start3A_146 = tpu.memref_slice %arg5[%dma_start3A_139, %dma_start3A_145] : memref<100x64xi32, #tpu.memory_space<vmem>> -> memref<1x64xi32, #tpu.memory_space<vmem>>
    %dma_start3A_147 = tpu.memref_squeeze %dma_start3A_146 : memref<1x64xi32, #tpu.memory_space<vmem>> -> memref<64xi32, #tpu.memory_space<vmem>>
    %dma_start3A_148 = arith.constant 0 : i32
    %dma_start3A_149 = arith.constant 0 : i32
    %dma_start3A_150 = tpu.memref_slice %arg3[%dma_start3A_148, %dma_start3A_149] : memref<100000x128xf32, #tpu.memory_space<hbm>> -> memref<100000x128xf32, #tpu.memory_space<hbm>>
    tpu.enqueue_indirect_dma source(%dma_start3A_150 : memref<100000x128xf32, #tpu.memory_space<hbm>>) target(%dma_start3A_144 : memref<64x128xf32, #tpu.memory_space<vmem>>) offsets(%dma_start3A_147 : memref<64xi32, #tpu.memory_space<vmem>>) semaphore(%arg14 : memref<!tpu.dma_semaphore, #tpu.memory_space<semaphore_mem>>)
    %dma_wait3A_151 = arith.constant 0 : i32
    %dma_wait3A_152 = arith.constant 2 : i32
    %dma_wait3A_153 = arith.constant 0 : i32
    %dma_wait3A_154 = arith.constant 0 : i32
    %dma_wait3A_155 = tpu.memref_slice %arg6[%dma_wait3A_152, %dma_wait3A_153, %dma_wait3A_154] : memref<10x64x128xf32, #tpu.memory_space<vmem>> -> memref<1x64x128xf32, #tpu.memory_space<vmem>>
    %dma_wait3A_156 = tpu.memref_squeeze %dma_wait3A_155 : memref<1x64x128xf32, #tpu.memory_space<vmem>> -> memref<64x128xf32, #tpu.memory_space<vmem>>
    %dma_wait3A_157 = arith.constant 0 : i32
    %dma_wait3A_158 = tpu.memref_slice %arg5[%dma_wait3A_151, %dma_wait3A_157] : memref<100x64xi32, #tpu.memory_space<vmem>> -> memref<1x64xi32, #tpu.memory_space<vmem>>
    %dma_wait3A_159 = tpu.memref_squeeze %dma_wait3A_158 : memref<1x64xi32, #tpu.memory_space<vmem>> -> memref<64xi32, #tpu.memory_space<vmem>>
    %dma_wait3A_160 = arith.constant 0 : i32
    %dma_wait3A_161 = arith.constant 0 : i32
    %dma_wait3A_162 = tpu.memref_slice %arg3[%dma_wait3A_160, %dma_wait3A_161] : memref<100000x128xf32, #tpu.memory_space<hbm>> -> memref<100000x128xf32, #tpu.memory_space<hbm>>
    tpu.wait_indirect_dma semaphore(%arg9 : memref<!tpu.dma_semaphore, #tpu.memory_space<semaphore_mem>>) src(%dma_wait3A_162 : memref<100000x128xf32, #tpu.memory_space<hbm>>) dst(%dma_wait3A_156 : memref<64x128xf32, #tpu.memory_space<vmem>>)
    %add3A_163 = arith.constant 128 : i32
    %add3A_164 = arith.addi %mul3A_2, %add3A_163 : i32
    %dma_start3A_165 = arith.constant 2 : i32
    %dma_start3A_166 = arith.constant 0 : i32
    %dma_start3A_167 = arith.constant 0 : i32
    %dma_start3A_168 = tpu.memref_slice %arg6[%dma_start3A_165, %dma_start3A_166, %dma_start3A_167] : memref<10x64x128xf32, #tpu.memory_space<vmem>> -> memref<1x64x128xf32, #tpu.memory_space<vmem>>
    %dma_start3A_169 = tpu.memref_squeeze %dma_start3A_168 : memref<1x64x128xf32, #tpu.memory_space<vmem>> -> memref<64x128xf32, #tpu.memory_space<vmem>>
    %dma_start3A_170 = arith.constant 0 : i32
    %dma_start3A_171 = tpu.memref_slice %arg4[%add3A_164, %dma_start3A_170] : memref<204800x128xf32, #tpu.memory_space<hbm>> -> memref<64x128xf32, #tpu.memory_space<hbm>>
    %dma_start3A_172 = arith.constant 0 : i32
    %dma_start3A_173 = tpu.memref_slice %arg4[%add3A_164, %dma_start3A_172] : memref<204800x128xf32, #tpu.memory_space<hbm>> -> memref<64x128xf32, #tpu.memory_space<hbm>>
    %dma_start3A_174 = arith.constant 0 : i32
    %dma_start3A_175 = arith.constant 0 : i32
    %dma_start3A_176 = tpu.memref_slice %arg6[%dma_start3A_165, %dma_start3A_174, %dma_start3A_175] : memref<10x64x128xf32, #tpu.memory_space<vmem>> -> memref<1x64x128xf32, #tpu.memory_space<vmem>>
    %dma_start3A_177 = tpu.memref_squeeze %dma_start3A_176 : memref<1x64x128xf32, #tpu.memory_space<vmem>> -> memref<64x128xf32, #tpu.memory_space<vmem>>
    tpu.enqueue_dma source(%dma_start3A_177 : memref<64x128xf32, #tpu.memory_space<vmem>>) target(%dma_start3A_173 : memref<64x128xf32, #tpu.memory_space<hbm>>) target_semaphore(%arg19 : memref<!tpu.dma_semaphore, #tpu.memory_space<semaphore_mem>>)
    %dma_start3A_178 = arith.constant 8 : i32
    %dma_start3A_179 = arith.constant 8 : i32
    %dma_start3A_180 = arith.constant 0 : i32
    %dma_start3A_181 = arith.constant 0 : i32
    %dma_start3A_182 = tpu.memref_slice %arg6[%dma_start3A_179, %dma_start3A_180, %dma_start3A_181] : memref<10x64x128xf32, #tpu.memory_space<vmem>> -> memref<1x64x128xf32, #tpu.memory_space<vmem>>
    %dma_start3A_183 = tpu.memref_squeeze %dma_start3A_182 : memref<1x64x128xf32, #tpu.memory_space<vmem>> -> memref<64x128xf32, #tpu.memory_space<vmem>>
    %dma_start3A_184 = arith.constant 0 : i32
    %dma_start3A_185 = tpu.memref_slice %arg5[%dma_start3A_178, %dma_start3A_184] : memref<100x64xi32, #tpu.memory_space<vmem>> -> memref<1x64xi32, #tpu.memory_space<vmem>>
    %dma_start3A_186 = tpu.memref_squeeze %dma_start3A_185 : memref<1x64xi32, #tpu.memory_space<vmem>> -> memref<64xi32, #tpu.memory_space<vmem>>
    %dma_start3A_187 = arith.constant 0 : i32
    %dma_start3A_188 = arith.constant 0 : i32
    %dma_start3A_189 = tpu.memref_slice %arg3[%dma_start3A_187, %dma_start3A_188] : memref<100000x128xf32, #tpu.memory_space<hbm>> -> memref<100000x128xf32, #tpu.memory_space<hbm>>
    tpu.enqueue_indirect_dma source(%dma_start3A_189 : memref<100000x128xf32, #tpu.memory_space<hbm>>) target(%dma_start3A_183 : memref<64x128xf32, #tpu.memory_space<vmem>>) offsets(%dma_start3A_186 : memref<64xi32, #tpu.memory_space<vmem>>) semaphore(%arg15 : memref<!tpu.dma_semaphore, #tpu.memory_space<semaphore_mem>>)
    %dma_wait3A_190 = arith.constant 0 : i32
    %dma_wait3A_191 = arith.constant 3 : i32
    %dma_wait3A_192 = arith.constant 0 : i32
    %dma_wait3A_193 = arith.constant 0 : i32
    %dma_wait3A_194 = tpu.memref_slice %arg6[%dma_wait3A_191, %dma_wait3A_192, %dma_wait3A_193] : memref<10x64x128xf32, #tpu.memory_space<vmem>> -> memref<1x64x128xf32, #tpu.memory_space<vmem>>
    %dma_wait3A_195 = tpu.memref_squeeze %dma_wait3A_194 : memref<1x64x128xf32, #tpu.memory_space<vmem>> -> memref<64x128xf32, #tpu.memory_space<vmem>>
    %dma_wait3A_196 = arith.constant 0 : i32
    %dma_wait3A_197 = tpu.memref_slice %arg5[%dma_wait3A_190, %dma_wait3A_196] : memref<100x64xi32, #tpu.memory_space<vmem>> -> memref<1x64xi32, #tpu.memory_space<vmem>>
    %dma_wait3A_198 = tpu.memref_squeeze %dma_wait3A_197 : memref<1x64xi32, #tpu.memory_space<vmem>> -> memref<64xi32, #tpu.memory_space<vmem>>
    %dma_wait3A_199 = arith.constant 0 : i32
    %dma_wait3A_200 = arith.constant 0 : i32
    %dma_wait3A_201 = tpu.memref_slice %arg3[%dma_wait3A_199, %dma_wait3A_200] : memref<100000x128xf32, #tpu.memory_space<hbm>> -> memref<100000x128xf32, #tpu.memory_space<hbm>>
    tpu.wait_indirect_dma semaphore(%arg10 : memref<!tpu.dma_semaphore, #tpu.memory_space<semaphore_mem>>) src(%dma_wait3A_201 : memref<100000x128xf32, #tpu.memory_space<hbm>>) dst(%dma_wait3A_195 : memref<64x128xf32, #tpu.memory_space<vmem>>)
    %add3A_202 = arith.constant 192 : i32
    %add3A_203 = arith.addi %mul3A_2, %add3A_202 : i32
    %dma_start3A_204 = arith.constant 3 : i32
    %dma_start3A_205 = arith.constant 0 : i32
    %dma_start3A_206 = arith.constant 0 : i32
    %dma_start3A_207 = tpu.memref_slice %arg6[%dma_start3A_204, %dma_start3A_205, %dma_start3A_206] : memref<10x64x128xf32, #tpu.memory_space<vmem>> -> memref<1x64x128xf32, #tpu.memory_space<vmem>>
    %dma_start3A_208 = tpu.memref_squeeze %dma_start3A_207 : memref<1x64x128xf32, #tpu.memory_space<vmem>> -> memref<64x128xf32, #tpu.memory_space<vmem>>
    %dma_start3A_209 = arith.constant 0 : i32
    %dma_start3A_210 = tpu.memref_slice %arg4[%add3A_203, %dma_start3A_209] : memref<204800x128xf32, #tpu.memory_space<hbm>> -> memref<64x128xf32, #tpu.memory_space<hbm>>
    %dma_start3A_211 = arith.constant 0 : i32
    %dma_start3A_212 = tpu.memref_slice %arg4[%add3A_203, %dma_start3A_211] : memref<204800x128xf32, #tpu.memory_space<hbm>> -> memref<64x128xf32, #tpu.memory_space<hbm>>
    %dma_start3A_213 = arith.constant 0 : i32
    %dma_start3A_214 = arith.constant 0 : i32
    %dma_start3A_215 = tpu.memref_slice %arg6[%dma_start3A_204, %dma_start3A_213, %dma_start3A_214] : memref<10x64x128xf32, #tpu.memory_space<vmem>> -> memref<1x64x128xf32, #tpu.memory_space<vmem>>
    %dma_start3A_216 = tpu.memref_squeeze %dma_start3A_215 : memref<1x64x128xf32, #tpu.memory_space<vmem>> -> memref<64x128xf32, #tpu.memory_space<vmem>>
    tpu.enqueue_dma source(%dma_start3A_216 : memref<64x128xf32, #tpu.memory_space<vmem>>) target(%dma_start3A_212 : memref<64x128xf32, #tpu.memory_space<hbm>>) target_semaphore(%arg20 : memref<!tpu.dma_semaphore, #tpu.memory_space<semaphore_mem>>)
    %dma_start3A_217 = arith.constant 9 : i32
    %dma_start3A_218 = arith.constant 9 : i32
    %dma_start3A_219 = arith.constant 0 : i32
    %dma_start3A_220 = arith.constant 0 : i32
    %dma_start3A_221 = tpu.memref_slice %arg6[%dma_start3A_218, %dma_start3A_219, %dma_start3A_220] : memref<10x64x128xf32, #tpu.memory_space<vmem>> -> memref<1x64x128xf32, #tpu.memory_space<vmem>>
    %dma_start3A_222 = tpu.memref_squeeze %dma_start3A_221 : memref<1x64x128xf32, #tpu.memory_space<vmem>> -> memref<64x128xf32, #tpu.memory_space<vmem>>
    %dma_start3A_223 = arith.constant 0 : i32
    %dma_start3A_224 = tpu.memref_slice %arg5[%dma_start3A_217, %dma_start3A_223] : memref<100x64xi32, #tpu.memory_space<vmem>> -> memref<1x64xi32, #tpu.memory_space<vmem>>
    %dma_start3A_225 = tpu.memref_squeeze %dma_start3A_224 : memref<1x64xi32, #tpu.memory_space<vmem>> -> memref<64xi32, #tpu.memory_space<vmem>>
    %dma_start3A_226 = arith.constant 0 : i32
    %dma_start3A_227 = arith.constant 0 : i32
    %dma_start3A_228 = tpu.memref_slice %arg3[%dma_start3A_226, %dma_start3A_227] : memref<100000x128xf32, #tpu.memory_space<hbm>> -> memref<100000x128xf32, #tpu.memory_space<hbm>>
    tpu.enqueue_indirect_dma source(%dma_start3A_228 : memref<100000x128xf32, #tpu.memory_space<hbm>>) target(%dma_start3A_222 : memref<64x128xf32, #tpu.memory_space<vmem>>) offsets(%dma_start3A_225 : memref<64xi32, #tpu.memory_space<vmem>>) semaphore(%arg16 : memref<!tpu.dma_semaphore, #tpu.memory_space<semaphore_mem>>)
    %dma_wait3A_229 = arith.constant 0 : i32
    %dma_wait3A_230 = arith.constant 4 : i32
    %dma_wait3A_231 = arith.constant 0 : i32
    %dma_wait3A_232 = arith.constant 0 : i32
    %dma_wait3A_233 = tpu.memref_slice %arg6[%dma_wait3A_230, %dma_wait3A_231, %dma_wait3A_232] : memref<10x64x128xf32, #tpu.memory_space<vmem>> -> memref<1x64x128xf32, #tpu.memory_space<vmem>>
    %dma_wait3A_234 = tpu.memref_squeeze %dma_wait3A_233 : memref<1x64x128xf32, #tpu.memory_space<vmem>> -> memref<64x128xf32, #tpu.memory_space<vmem>>
    %dma_wait3A_235 = arith.constant 0 : i32
    %dma_wait3A_236 = tpu.memref_slice %arg5[%dma_wait3A_229, %dma_wait3A_235] : memref<100x64xi32, #tpu.memory_space<vmem>> -> memref<1x64xi32, #tpu.memory_space<vmem>>
    %dma_wait3A_237 = tpu.memref_squeeze %dma_wait3A_236 : memref<1x64xi32, #tpu.memory_space<vmem>> -> memref<64xi32, #tpu.memory_space<vmem>>
    %dma_wait3A_238 = arith.constant 0 : i32
    %dma_wait3A_239 = arith.constant 0 : i32
    %dma_wait3A_240 = tpu.memref_slice %arg3[%dma_wait3A_238, %dma_wait3A_239] : memref<100000x128xf32, #tpu.memory_space<hbm>> -> memref<100000x128xf32, #tpu.memory_space<hbm>>
    tpu.wait_indirect_dma semaphore(%arg11 : memref<!tpu.dma_semaphore, #tpu.memory_space<semaphore_mem>>) src(%dma_wait3A_240 : memref<100000x128xf32, #tpu.memory_space<hbm>>) dst(%dma_wait3A_234 : memref<64x128xf32, #tpu.memory_space<vmem>>)
    %add3A_241 = arith.constant 256 : i32
    %add3A_242 = arith.addi %mul3A_2, %add3A_241 : i32
    %dma_start3A_243 = arith.constant 4 : i32
    %dma_start3A_244 = arith.constant 0 : i32
    %dma_start3A_245 = arith.constant 0 : i32
    %dma_start3A_246 = tpu.memref_slice %arg6[%dma_start3A_243, %dma_start3A_244, %dma_start3A_245] : memref<10x64x128xf32, #tpu.memory_space<vmem>> -> memref<1x64x128xf32, #tpu.memory_space<vmem>>
    %dma_start3A_247 = tpu.memref_squeeze %dma_start3A_246 : memref<1x64x128xf32, #tpu.memory_space<vmem>> -> memref<64x128xf32, #tpu.memory_space<vmem>>
    %dma_start3A_248 = arith.constant 0 : i32
    %dma_start3A_249 = tpu.memref_slice %arg4[%add3A_242, %dma_start3A_248] : memref<204800x128xf32, #tpu.memory_space<hbm>> -> memref<64x128xf32, #tpu.memory_space<hbm>>
    %dma_start3A_250 = arith.constant 0 : i32
    %dma_start3A_251 = tpu.memref_slice %arg4[%add3A_242, %dma_start3A_250] : memref<204800x128xf32, #tpu.memory_space<hbm>> -> memref<64x128xf32, #tpu.memory_space<hbm>>
    %dma_start3A_252 = arith.constant 0 : i32
    %dma_start3A_253 = arith.constant 0 : i32
    %dma_start3A_254 = tpu.memref_slice %arg6[%dma_start3A_243, %dma_start3A_252, %dma_start3A_253] : memref<10x64x128xf32, #tpu.memory_space<vmem>> -> memref<1x64x128xf32, #tpu.memory_space<vmem>>
    %dma_start3A_255 = tpu.memref_squeeze %dma_start3A_254 : memref<1x64x128xf32, #tpu.memory_space<vmem>> -> memref<64x128xf32, #tpu.memory_space<vmem>>
    tpu.enqueue_dma source(%dma_start3A_255 : memref<64x128xf32, #tpu.memory_space<vmem>>) target(%dma_start3A_251 : memref<64x128xf32, #tpu.memory_space<hbm>>) target_semaphore(%arg21 : memref<!tpu.dma_semaphore, #tpu.memory_space<semaphore_mem>>)
    %scan3A = arith.constant 0 : i32
    %scan3A_256 = arith.constant 9 : i32
    %scan3A_257 = arith.addi %scan3A, %scan3A_256 : i32
    %scan3A_258 = arith.constant 1 : i32
    scf.for %scan3A_525 = %scan3A to %scan3A_257 step %scan3A_258  : i32 {
      %mul3A_526 = arith.constant 10 : i32
      %mul3A_527 = arith.muli %scan3A_525, %mul3A_526 : i32
      %add3A_528 = arith.constant 10 : i32
      %add3A_529 = arith.addi %add3A_528, %mul3A_527 : i32
      %add3A_530 = arith.constant 0 : i32
      %add3A_531 = arith.addi %add3A_529, %add3A_530 : i32
      %dma_wait3A_532 = arith.constant 0 : i32
      %dma_wait3A_533 = arith.constant 0 : i32
      %dma_wait3A_534 = arith.constant 0 : i32
      %dma_wait3A_535 = tpu.memref_slice %arg6[%dma_wait3A_532, %dma_wait3A_533, %dma_wait3A_534] : memref<10x64x128xf32, #tpu.memory_space<vmem>> -> memref<1x64x128xf32, #tpu.memory_space<vmem>>
      %dma_wait3A_536 = tpu.memref_squeeze %dma_wait3A_535 : memref<1x64x128xf32, #tpu.memory_space<vmem>> -> memref<64x128xf32, #tpu.memory_space<vmem>>
      %dma_wait3A_537 = arith.constant 0 : i32
      %dma_wait3A_538 = tpu.memref_slice %arg4[%mul3A_2, %dma_wait3A_537] : memref<204800x128xf32, #tpu.memory_space<hbm>> -> memref<64x128xf32, #tpu.memory_space<hbm>>
      %dma_wait3A_539 = arith.constant 0 : i32
      %dma_wait3A_540 = tpu.memref_slice %arg4[%mul3A_2, %dma_wait3A_539] : memref<204800x128xf32, #tpu.memory_space<hbm>> -> memref<64x128xf32, #tpu.memory_space<hbm>>
      %dma_wait3A_541 = arith.constant 0 : i32
      %dma_wait3A_542 = arith.constant 0 : i32
      %dma_wait3A_543 = tpu.memref_slice %arg6[%dma_wait3A_532, %dma_wait3A_541, %dma_wait3A_542] : memref<10x64x128xf32, #tpu.memory_space<vmem>> -> memref<1x64x128xf32, #tpu.memory_space<vmem>>
      %dma_wait3A_544 = tpu.memref_squeeze %dma_wait3A_543 : memref<1x64x128xf32, #tpu.memory_space<vmem>> -> memref<64x128xf32, #tpu.memory_space<vmem>>
      tpu.wait_dma2 semaphore(%arg17 : memref<!tpu.dma_semaphore, #tpu.memory_space<semaphore_mem>>) src(%dma_wait3A_544 : memref<64x128xf32, #tpu.memory_space<vmem>>) dst(%dma_wait3A_540 : memref<64x128xf32, #tpu.memory_space<hbm>>)
      %dma_start3A_545 = arith.constant 0 : i32
      %dma_start3A_546 = arith.constant 0 : i32
      %dma_start3A_547 = arith.constant 0 : i32
      %dma_start3A_548 = tpu.memref_slice %arg6[%dma_start3A_545, %dma_start3A_546, %dma_start3A_547] : memref<10x64x128xf32, #tpu.memory_space<vmem>> -> memref<1x64x128xf32, #tpu.memory_space<vmem>>
      %dma_start3A_549 = tpu.memref_squeeze %dma_start3A_548 : memref<1x64x128xf32, #tpu.memory_space<vmem>> -> memref<64x128xf32, #tpu.memory_space<vmem>>
      %dma_start3A_550 = arith.constant 0 : i32
      %dma_start3A_551 = tpu.memref_slice %arg5[%add3A_531, %dma_start3A_550] : memref<100x64xi32, #tpu.memory_space<vmem>> -> memref<1x64xi32, #tpu.memory_space<vmem>>
      %dma_start3A_552 = tpu.memref_squeeze %dma_start3A_551 : memref<1x64xi32, #tpu.memory_space<vmem>> -> memref<64xi32, #tpu.memory_space<vmem>>
      %dma_start3A_553 = arith.constant 0 : i32
      %dma_start3A_554 = arith.constant 0 : i32
      %dma_start3A_555 = tpu.memref_slice %arg3[%dma_start3A_553, %dma_start3A_554] : memref<100000x128xf32, #tpu.memory_space<hbm>> -> memref<100000x128xf32, #tpu.memory_space<hbm>>
      tpu.enqueue_indirect_dma source(%dma_start3A_555 : memref<100000x128xf32, #tpu.memory_space<hbm>>) target(%dma_start3A_549 : memref<64x128xf32, #tpu.memory_space<vmem>>) offsets(%dma_start3A_552 : memref<64xi32, #tpu.memory_space<vmem>>) semaphore(%arg7 : memref<!tpu.dma_semaphore, #tpu.memory_space<semaphore_mem>>)
      %dma_wait3A_556 = arith.constant 0 : i32
      %dma_wait3A_557 = arith.constant 5 : i32
      %dma_wait3A_558 = arith.constant 0 : i32
      %dma_wait3A_559 = arith.constant 0 : i32
      %dma_wait3A_560 = tpu.memref_slice %arg6[%dma_wait3A_557, %dma_wait3A_558, %dma_wait3A_559] : memref<10x64x128xf32, #tpu.memory_space<vmem>> -> memref<1x64x128xf32, #tpu.memory_space<vmem>>
      %dma_wait3A_561 = tpu.memref_squeeze %dma_wait3A_560 : memref<1x64x128xf32, #tpu.memory_space<vmem>> -> memref<64x128xf32, #tpu.memory_space<vmem>>
      %dma_wait3A_562 = arith.constant 0 : i32
      %dma_wait3A_563 = tpu.memref_slice %arg5[%dma_wait3A_556, %dma_wait3A_562] : memref<100x64xi32, #tpu.memory_space<vmem>> -> memref<1x64xi32, #tpu.memory_space<vmem>>
      %dma_wait3A_564 = tpu.memref_squeeze %dma_wait3A_563 : memref<1x64xi32, #tpu.memory_space<vmem>> -> memref<64xi32, #tpu.memory_space<vmem>>
      %dma_wait3A_565 = arith.constant 0 : i32
      %dma_wait3A_566 = arith.constant 0 : i32
      %dma_wait3A_567 = tpu.memref_slice %arg3[%dma_wait3A_565, %dma_wait3A_566] : memref<100000x128xf32, #tpu.memory_space<hbm>> -> memref<100000x128xf32, #tpu.memory_space<hbm>>
      tpu.wait_indirect_dma semaphore(%arg12 : memref<!tpu.dma_semaphore, #tpu.memory_space<semaphore_mem>>) src(%dma_wait3A_567 : memref<100000x128xf32, #tpu.memory_space<hbm>>) dst(%dma_wait3A_561 : memref<64x128xf32, #tpu.memory_space<vmem>>)
      %sub3A = arith.constant 5 : i32
      %sub3A_568 = arith.subi %add3A_531, %sub3A : i32
      %mul3A_569 = arith.constant 64 : i32
      %mul3A_570 = arith.muli %sub3A_568, %mul3A_569 : i32
      %add3A_571 = arith.addi %mul3A_2, %mul3A_570 : i32
      %dma_start3A_572 = arith.constant 5 : i32
      %dma_start3A_573 = arith.constant 0 : i32
      %dma_start3A_574 = arith.constant 0 : i32
      %dma_start3A_575 = tpu.memref_slice %arg6[%dma_start3A_572, %dma_start3A_573, %dma_start3A_574] : memref<10x64x128xf32, #tpu.memory_space<vmem>> -> memref<1x64x128xf32, #tpu.memory_space<vmem>>
      %dma_start3A_576 = tpu.memref_squeeze %dma_start3A_575 : memref<1x64x128xf32, #tpu.memory_space<vmem>> -> memref<64x128xf32, #tpu.memory_space<vmem>>
      %dma_start3A_577 = arith.constant 0 : i32
      %dma_start3A_578 = tpu.memref_slice %arg4[%add3A_571, %dma_start3A_577] : memref<204800x128xf32, #tpu.memory_space<hbm>> -> memref<64x128xf32, #tpu.memory_space<hbm>>
      %dma_start3A_579 = arith.constant 0 : i32
      %dma_start3A_580 = tpu.memref_slice %arg4[%add3A_571, %dma_start3A_579] : memref<204800x128xf32, #tpu.memory_space<hbm>> -> memref<64x128xf32, #tpu.memory_space<hbm>>
      %dma_start3A_581 = arith.constant 0 : i32
      %dma_start3A_582 = arith.constant 0 : i32
      %dma_start3A_583 = tpu.memref_slice %arg6[%dma_start3A_572, %dma_start3A_581, %dma_start3A_582] : memref<10x64x128xf32, #tpu.memory_space<vmem>> -> memref<1x64x128xf32, #tpu.memory_space<vmem>>
      %dma_start3A_584 = tpu.memref_squeeze %dma_start3A_583 : memref<1x64x128xf32, #tpu.memory_space<vmem>> -> memref<64x128xf32, #tpu.memory_space<vmem>>
      tpu.enqueue_dma source(%dma_start3A_584 : memref<64x128xf32, #tpu.memory_space<vmem>>) target(%dma_start3A_580 : memref<64x128xf32, #tpu.memory_space<hbm>>) target_semaphore(%arg22 : memref<!tpu.dma_semaphore, #tpu.memory_space<semaphore_mem>>)
      %add3A_585 = arith.constant 1 : i32
      %add3A_586 = arith.addi %add3A_529, %add3A_585 : i32
      %dma_wait3A_587 = arith.constant 1 : i32
      %dma_wait3A_588 = arith.constant 0 : i32
      %dma_wait3A_589 = arith.constant 0 : i32
      %dma_wait3A_590 = tpu.memref_slice %arg6[%dma_wait3A_587, %dma_wait3A_588, %dma_wait3A_589] : memref<10x64x128xf32, #tpu.memory_space<vmem>> -> memref<1x64x128xf32, #tpu.memory_space<vmem>>
      %dma_wait3A_591 = tpu.memref_squeeze %dma_wait3A_590 : memref<1x64x128xf32, #tpu.memory_space<vmem>> -> memref<64x128xf32, #tpu.memory_space<vmem>>
      %dma_wait3A_592 = arith.constant 0 : i32
      %dma_wait3A_593 = tpu.memref_slice %arg4[%mul3A_2, %dma_wait3A_592] : memref<204800x128xf32, #tpu.memory_space<hbm>> -> memref<64x128xf32, #tpu.memory_space<hbm>>
      %dma_wait3A_594 = arith.constant 0 : i32
      %dma_wait3A_595 = tpu.memref_slice %arg4[%mul3A_2, %dma_wait3A_594] : memref<204800x128xf32, #tpu.memory_space<hbm>> -> memref<64x128xf32, #tpu.memory_space<hbm>>
      %dma_wait3A_596 = arith.constant 0 : i32
      %dma_wait3A_597 = arith.constant 0 : i32
      %dma_wait3A_598 = tpu.memref_slice %arg6[%dma_wait3A_587, %dma_wait3A_596, %dma_wait3A_597] : memref<10x64x128xf32, #tpu.memory_space<vmem>> -> memref<1x64x128xf32, #tpu.memory_space<vmem>>
      %dma_wait3A_599 = tpu.memref_squeeze %dma_wait3A_598 : memref<1x64x128xf32, #tpu.memory_space<vmem>> -> memref<64x128xf32, #tpu.memory_space<vmem>>
      tpu.wait_dma2 semaphore(%arg18 : memref<!tpu.dma_semaphore, #tpu.memory_space<semaphore_mem>>) src(%dma_wait3A_599 : memref<64x128xf32, #tpu.memory_space<vmem>>) dst(%dma_wait3A_595 : memref<64x128xf32, #tpu.memory_space<hbm>>)
      %dma_start3A_600 = arith.constant 1 : i32
      %dma_start3A_601 = arith.constant 0 : i32
      %dma_start3A_602 = arith.constant 0 : i32
      %dma_start3A_603 = tpu.memref_slice %arg6[%dma_start3A_600, %dma_start3A_601, %dma_start3A_602] : memref<10x64x128xf32, #tpu.memory_space<vmem>> -> memref<1x64x128xf32, #tpu.memory_space<vmem>>
      %dma_start3A_604 = tpu.memref_squeeze %dma_start3A_603 : memref<1x64x128xf32, #tpu.memory_space<vmem>> -> memref<64x128xf32, #tpu.memory_space<vmem>>
      %dma_start3A_605 = arith.constant 0 : i32
      %dma_start3A_606 = tpu.memref_slice %arg5[%add3A_586, %dma_start3A_605] : memref<100x64xi32, #tpu.memory_space<vmem>> -> memref<1x64xi32, #tpu.memory_space<vmem>>
      %dma_start3A_607 = tpu.memref_squeeze %dma_start3A_606 : memref<1x64xi32, #tpu.memory_space<vmem>> -> memref<64xi32, #tpu.memory_space<vmem>>
      %dma_start3A_608 = arith.constant 0 : i32
      %dma_start3A_609 = arith.constant 0 : i32
      %dma_start3A_610 = tpu.memref_slice %arg3[%dma_start3A_608, %dma_start3A_609] : memref<100000x128xf32, #tpu.memory_space<hbm>> -> memref<100000x128xf32, #tpu.memory_space<hbm>>
      tpu.enqueue_indirect_dma source(%dma_start3A_610 : memref<100000x128xf32, #tpu.memory_space<hbm>>) target(%dma_start3A_604 : memref<64x128xf32, #tpu.memory_space<vmem>>) offsets(%dma_start3A_607 : memref<64xi32, #tpu.memory_space<vmem>>) semaphore(%arg8 : memref<!tpu.dma_semaphore, #tpu.memory_space<semaphore_mem>>)
      %dma_wait3A_611 = arith.constant 0 : i32
      %dma_wait3A_612 = arith.constant 6 : i32
      %dma_wait3A_613 = arith.constant 0 : i32
      %dma_wait3A_614 = arith.constant 0 : i32
      %dma_wait3A_615 = tpu.memref_slice %arg6[%dma_wait3A_612, %dma_wait3A_613, %dma_wait3A_614] : memref<10x64x128xf32, #tpu.memory_space<vmem>> -> memref<1x64x128xf32, #tpu.memory_space<vmem>>
      %dma_wait3A_616 = tpu.memref_squeeze %dma_wait3A_615 : memref<1x64x128xf32, #tpu.memory_space<vmem>> -> memref<64x128xf32, #tpu.memory_space<vmem>>
      %dma_wait3A_617 = arith.constant 0 : i32
      %dma_wait3A_618 = tpu.memref_slice %arg5[%dma_wait3A_611, %dma_wait3A_617] : memref<100x64xi32, #tpu.memory_space<vmem>> -> memref<1x64xi32, #tpu.memory_space<vmem>>
      %dma_wait3A_619 = tpu.memref_squeeze %dma_wait3A_618 : memref<1x64xi32, #tpu.memory_space<vmem>> -> memref<64xi32, #tpu.memory_space<vmem>>
      %dma_wait3A_620 = arith.constant 0 : i32
      %dma_wait3A_621 = arith.constant 0 : i32
      %dma_wait3A_622 = tpu.memref_slice %arg3[%dma_wait3A_620, %dma_wait3A_621] : memref<100000x128xf32, #tpu.memory_space<hbm>> -> memref<100000x128xf32, #tpu.memory_space<hbm>>
      tpu.wait_indirect_dma semaphore(%arg13 : memref<!tpu.dma_semaphore, #tpu.memory_space<semaphore_mem>>) src(%dma_wait3A_622 : memref<100000x128xf32, #tpu.memory_space<hbm>>) dst(%dma_wait3A_616 : memref<64x128xf32, #tpu.memory_space<vmem>>)
      %sub3A_623 = arith.constant 5 : i32
      %sub3A_624 = arith.subi %add3A_586, %sub3A_623 : i32
      %mul3A_625 = arith.constant 64 : i32
      %mul3A_626 = arith.muli %sub3A_624, %mul3A_625 : i32
      %add3A_627 = arith.addi %mul3A_2, %mul3A_626 : i32
      %dma_start3A_628 = arith.constant 6 : i32
      %dma_start3A_629 = arith.constant 0 : i32
      %dma_start3A_630 = arith.constant 0 : i32
      %dma_start3A_631 = tpu.memref_slice %arg6[%dma_start3A_628, %dma_start3A_629, %dma_start3A_630] : memref<10x64x128xf32, #tpu.memory_space<vmem>> -> memref<1x64x128xf32, #tpu.memory_space<vmem>>
      %dma_start3A_632 = tpu.memref_squeeze %dma_start3A_631 : memref<1x64x128xf32, #tpu.memory_space<vmem>> -> memref<64x128xf32, #tpu.memory_space<vmem>>
      %dma_start3A_633 = arith.constant 0 : i32
      %dma_start3A_634 = tpu.memref_slice %arg4[%add3A_627, %dma_start3A_633] : memref<204800x128xf32, #tpu.memory_space<hbm>> -> memref<64x128xf32, #tpu.memory_space<hbm>>
      %dma_start3A_635 = arith.constant 0 : i32
      %dma_start3A_636 = tpu.memref_slice %arg4[%add3A_627, %dma_start3A_635] : memref<204800x128xf32, #tpu.memory_space<hbm>> -> memref<64x128xf32, #tpu.memory_space<hbm>>
      %dma_start3A_637 = arith.constant 0 : i32
      %dma_start3A_638 = arith.constant 0 : i32
      %dma_start3A_639 = tpu.memref_slice %arg6[%dma_start3A_628, %dma_start3A_637, %dma_start3A_638] : memref<10x64x128xf32, #tpu.memory_space<vmem>> -> memref<1x64x128xf32, #tpu.memory_space<vmem>>
      %dma_start3A_640 = tpu.memref_squeeze %dma_start3A_639 : memref<1x64x128xf32, #tpu.memory_space<vmem>> -> memref<64x128xf32, #tpu.memory_space<vmem>>
      tpu.enqueue_dma source(%dma_start3A_640 : memref<64x128xf32, #tpu.memory_space<vmem>>) target(%dma_start3A_636 : memref<64x128xf32, #tpu.memory_space<hbm>>) target_semaphore(%arg23 : memref<!tpu.dma_semaphore, #tpu.memory_space<semaphore_mem>>)
      %add3A_641 = arith.constant 2 : i32
      %add3A_642 = arith.addi %add3A_529, %add3A_641 : i32
      %dma_wait3A_643 = arith.constant 2 : i32
      %dma_wait3A_644 = arith.constant 0 : i32
      %dma_wait3A_645 = arith.constant 0 : i32
      %dma_wait3A_646 = tpu.memref_slice %arg6[%dma_wait3A_643, %dma_wait3A_644, %dma_wait3A_645] : memref<10x64x128xf32, #tpu.memory_space<vmem>> -> memref<1x64x128xf32, #tpu.memory_space<vmem>>
      %dma_wait3A_647 = tpu.memref_squeeze %dma_wait3A_646 : memref<1x64x128xf32, #tpu.memory_space<vmem>> -> memref<64x128xf32, #tpu.memory_space<vmem>>
      %dma_wait3A_648 = arith.constant 0 : i32
      %dma_wait3A_649 = tpu.memref_slice %arg4[%mul3A_2, %dma_wait3A_648] : memref<204800x128xf32, #tpu.memory_space<hbm>> -> memref<64x128xf32, #tpu.memory_space<hbm>>
      %dma_wait3A_650 = arith.constant 0 : i32
      %dma_wait3A_651 = tpu.memref_slice %arg4[%mul3A_2, %dma_wait3A_650] : memref<204800x128xf32, #tpu.memory_space<hbm>> -> memref<64x128xf32, #tpu.memory_space<hbm>>
      %dma_wait3A_652 = arith.constant 0 : i32
      %dma_wait3A_653 = arith.constant 0 : i32
      %dma_wait3A_654 = tpu.memref_slice %arg6[%dma_wait3A_643, %dma_wait3A_652, %dma_wait3A_653] : memref<10x64x128xf32, #tpu.memory_space<vmem>> -> memref<1x64x128xf32, #tpu.memory_space<vmem>>
      %dma_wait3A_655 = tpu.memref_squeeze %dma_wait3A_654 : memref<1x64x128xf32, #tpu.memory_space<vmem>> -> memref<64x128xf32, #tpu.memory_space<vmem>>
      tpu.wait_dma2 semaphore(%arg19 : memref<!tpu.dma_semaphore, #tpu.memory_space<semaphore_mem>>) src(%dma_wait3A_655 : memref<64x128xf32, #tpu.memory_space<vmem>>) dst(%dma_wait3A_651 : memref<64x128xf32, #tpu.memory_space<hbm>>)
      %dma_start3A_656 = arith.constant 2 : i32
      %dma_start3A_657 = arith.constant 0 : i32
      %dma_start3A_658 = arith.constant 0 : i32
      %dma_start3A_659 = tpu.memref_slice %arg6[%dma_start3A_656, %dma_start3A_657, %dma_start3A_658] : memref<10x64x128xf32, #tpu.memory_space<vmem>> -> memref<1x64x128xf32, #tpu.memory_space<vmem>>
      %dma_start3A_660 = tpu.memref_squeeze %dma_start3A_659 : memref<1x64x128xf32, #tpu.memory_space<vmem>> -> memref<64x128xf32, #tpu.memory_space<vmem>>
      %dma_start3A_661 = arith.constant 0 : i32
      %dma_start3A_662 = tpu.memref_slice %arg5[%add3A_642, %dma_start3A_661] : memref<100x64xi32, #tpu.memory_space<vmem>> -> memref<1x64xi32, #tpu.memory_space<vmem>>
      %dma_start3A_663 = tpu.memref_squeeze %dma_start3A_662 : memref<1x64xi32, #tpu.memory_space<vmem>> -> memref<64xi32, #tpu.memory_space<vmem>>
      %dma_start3A_664 = arith.constant 0 : i32
      %dma_start3A_665 = arith.constant 0 : i32
      %dma_start3A_666 = tpu.memref_slice %arg3[%dma_start3A_664, %dma_start3A_665] : memref<100000x128xf32, #tpu.memory_space<hbm>> -> memref<100000x128xf32, #tpu.memory_space<hbm>>
      tpu.enqueue_indirect_dma source(%dma_start3A_666 : memref<100000x128xf32, #tpu.memory_space<hbm>>) target(%dma_start3A_660 : memref<64x128xf32, #tpu.memory_space<vmem>>) offsets(%dma_start3A_663 : memref<64xi32, #tpu.memory_space<vmem>>) semaphore(%arg9 : memref<!tpu.dma_semaphore, #tpu.memory_space<semaphore_mem>>)
      %dma_wait3A_667 = arith.constant 0 : i32
      %dma_wait3A_668 = arith.constant 7 : i32
      %dma_wait3A_669 = arith.constant 0 : i32
      %dma_wait3A_670 = arith.constant 0 : i32
      %dma_wait3A_671 = tpu.memref_slice %arg6[%dma_wait3A_668, %dma_wait3A_669, %dma_wait3A_670] : memref<10x64x128xf32, #tpu.memory_space<vmem>> -> memref<1x64x128xf32, #tpu.memory_space<vmem>>
      %dma_wait3A_672 = tpu.memref_squeeze %dma_wait3A_671 : memref<1x64x128xf32, #tpu.memory_space<vmem>> -> memref<64x128xf32, #tpu.memory_space<vmem>>
      %dma_wait3A_673 = arith.constant 0 : i32
      %dma_wait3A_674 = tpu.memref_slice %arg5[%dma_wait3A_667, %dma_wait3A_673] : memref<100x64xi32, #tpu.memory_space<vmem>> -> memref<1x64xi32, #tpu.memory_space<vmem>>
      %dma_wait3A_675 = tpu.memref_squeeze %dma_wait3A_674 : memref<1x64xi32, #tpu.memory_space<vmem>> -> memref<64xi32, #tpu.memory_space<vmem>>
      %dma_wait3A_676 = arith.constant 0 : i32
      %dma_wait3A_677 = arith.constant 0 : i32
      %dma_wait3A_678 = tpu.memref_slice %arg3[%dma_wait3A_676, %dma_wait3A_677] : memref<100000x128xf32, #tpu.memory_space<hbm>> -> memref<100000x128xf32, #tpu.memory_space<hbm>>
      tpu.wait_indirect_dma semaphore(%arg14 : memref<!tpu.dma_semaphore, #tpu.memory_space<semaphore_mem>>) src(%dma_wait3A_678 : memref<100000x128xf32, #tpu.memory_space<hbm>>) dst(%dma_wait3A_672 : memref<64x128xf32, #tpu.memory_space<vmem>>)
      %sub3A_679 = arith.constant 5 : i32
      %sub3A_680 = arith.subi %add3A_642, %sub3A_679 : i32
      %mul3A_681 = arith.constant 64 : i32
      %mul3A_682 = arith.muli %sub3A_680, %mul3A_681 : i32
      %add3A_683 = arith.addi %mul3A_2, %mul3A_682 : i32
      %dma_start3A_684 = arith.constant 7 : i32
      %dma_start3A_685 = arith.constant 0 : i32
      %dma_start3A_686 = arith.constant 0 : i32
      %dma_start3A_687 = tpu.memref_slice %arg6[%dma_start3A_684, %dma_start3A_685, %dma_start3A_686] : memref<10x64x128xf32, #tpu.memory_space<vmem>> -> memref<1x64x128xf32, #tpu.memory_space<vmem>>
      %dma_start3A_688 = tpu.memref_squeeze %dma_start3A_687 : memref<1x64x128xf32, #tpu.memory_space<vmem>> -> memref<64x128xf32, #tpu.memory_space<vmem>>
      %dma_start3A_689 = arith.constant 0 : i32
      %dma_start3A_690 = tpu.memref_slice %arg4[%add3A_683, %dma_start3A_689] : memref<204800x128xf32, #tpu.memory_space<hbm>> -> memref<64x128xf32, #tpu.memory_space<hbm>>
      %dma_start3A_691 = arith.constant 0 : i32
      %dma_start3A_692 = tpu.memref_slice %arg4[%add3A_683, %dma_start3A_691] : memref<204800x128xf32, #tpu.memory_space<hbm>> -> memref<64x128xf32, #tpu.memory_space<hbm>>
      %dma_start3A_693 = arith.constant 0 : i32
      %dma_start3A_694 = arith.constant 0 : i32
      %dma_start3A_695 = tpu.memref_slice %arg6[%dma_start3A_684, %dma_start3A_693, %dma_start3A_694] : memref<10x64x128xf32, #tpu.memory_space<vmem>> -> memref<1x64x128xf32, #tpu.memory_space<vmem>>
      %dma_start3A_696 = tpu.memref_squeeze %dma_start3A_695 : memref<1x64x128xf32, #tpu.memory_space<vmem>> -> memref<64x128xf32, #tpu.memory_space<vmem>>
      tpu.enqueue_dma source(%dma_start3A_696 : memref<64x128xf32, #tpu.memory_space<vmem>>) target(%dma_start3A_692 : memref<64x128xf32, #tpu.memory_space<hbm>>) target_semaphore(%arg24 : memref<!tpu.dma_semaphore, #tpu.memory_space<semaphore_mem>>)
      %add3A_697 = arith.constant 3 : i32
      %add3A_698 = arith.addi %add3A_529, %add3A_697 : i32
      %dma_wait3A_699 = arith.constant 3 : i32
      %dma_wait3A_700 = arith.constant 0 : i32
      %dma_wait3A_701 = arith.constant 0 : i32
      %dma_wait3A_702 = tpu.memref_slice %arg6[%dma_wait3A_699, %dma_wait3A_700, %dma_wait3A_701] : memref<10x64x128xf32, #tpu.memory_space<vmem>> -> memref<1x64x128xf32, #tpu.memory_space<vmem>>
      %dma_wait3A_703 = tpu.memref_squeeze %dma_wait3A_702 : memref<1x64x128xf32, #tpu.memory_space<vmem>> -> memref<64x128xf32, #tpu.memory_space<vmem>>
      %dma_wait3A_704 = arith.constant 0 : i32
      %dma_wait3A_705 = tpu.memref_slice %arg4[%mul3A_2, %dma_wait3A_704] : memref<204800x128xf32, #tpu.memory_space<hbm>> -> memref<64x128xf32, #tpu.memory_space<hbm>>
      %dma_wait3A_706 = arith.constant 0 : i32
      %dma_wait3A_707 = tpu.memref_slice %arg4[%mul3A_2, %dma_wait3A_706] : memref<204800x128xf32, #tpu.memory_space<hbm>> -> memref<64x128xf32, #tpu.memory_space<hbm>>
      %dma_wait3A_708 = arith.constant 0 : i32
      %dma_wait3A_709 = arith.constant 0 : i32
      %dma_wait3A_710 = tpu.memref_slice %arg6[%dma_wait3A_699, %dma_wait3A_708, %dma_wait3A_709] : memref<10x64x128xf32, #tpu.memory_space<vmem>> -> memref<1x64x128xf32, #tpu.memory_space<vmem>>
      %dma_wait3A_711 = tpu.memref_squeeze %dma_wait3A_710 : memref<1x64x128xf32, #tpu.memory_space<vmem>> -> memref<64x128xf32, #tpu.memory_space<vmem>>
      tpu.wait_dma2 semaphore(%arg20 : memref<!tpu.dma_semaphore, #tpu.memory_space<semaphore_mem>>) src(%dma_wait3A_711 : memref<64x128xf32, #tpu.memory_space<vmem>>) dst(%dma_wait3A_707 : memref<64x128xf32, #tpu.memory_space<hbm>>)
      %dma_start3A_712 = arith.constant 3 : i32
      %dma_start3A_713 = arith.constant 0 : i32
      %dma_start3A_714 = arith.constant 0 : i32
      %dma_start3A_715 = tpu.memref_slice %arg6[%dma_start3A_712, %dma_start3A_713, %dma_start3A_714] : memref<10x64x128xf32, #tpu.memory_space<vmem>> -> memref<1x64x128xf32, #tpu.memory_space<vmem>>
      %dma_start3A_716 = tpu.memref_squeeze %dma_start3A_715 : memref<1x64x128xf32, #tpu.memory_space<vmem>> -> memref<64x128xf32, #tpu.memory_space<vmem>>
      %dma_start3A_717 = arith.constant 0 : i32
      %dma_start3A_718 = tpu.memref_slice %arg5[%add3A_698, %dma_start3A_717] : memref<100x64xi32, #tpu.memory_space<vmem>> -> memref<1x64xi32, #tpu.memory_space<vmem>>
      %dma_start3A_719 = tpu.memref_squeeze %dma_start3A_718 : memref<1x64xi32, #tpu.memory_space<vmem>> -> memref<64xi32, #tpu.memory_space<vmem>>
      %dma_start3A_720 = arith.constant 0 : i32
      %dma_start3A_721 = arith.constant 0 : i32
      %dma_start3A_722 = tpu.memref_slice %arg3[%dma_start3A_720, %dma_start3A_721] : memref<100000x128xf32, #tpu.memory_space<hbm>> -> memref<100000x128xf32, #tpu.memory_space<hbm>>
      tpu.enqueue_indirect_dma source(%dma_start3A_722 : memref<100000x128xf32, #tpu.memory_space<hbm>>) target(%dma_start3A_716 : memref<64x128xf32, #tpu.memory_space<vmem>>) offsets(%dma_start3A_719 : memref<64xi32, #tpu.memory_space<vmem>>) semaphore(%arg10 : memref<!tpu.dma_semaphore, #tpu.memory_space<semaphore_mem>>)
      %dma_wait3A_723 = arith.constant 0 : i32
      %dma_wait3A_724 = arith.constant 8 : i32
      %dma_wait3A_725 = arith.constant 0 : i32
      %dma_wait3A_726 = arith.constant 0 : i32
      %dma_wait3A_727 = tpu.memref_slice %arg6[%dma_wait3A_724, %dma_wait3A_725, %dma_wait3A_726] : memref<10x64x128xf32, #tpu.memory_space<vmem>> -> memref<1x64x128xf32, #tpu.memory_space<vmem>>
      %dma_wait3A_728 = tpu.memref_squeeze %dma_wait3A_727 : memref<1x64x128xf32, #tpu.memory_space<vmem>> -> memref<64x128xf32, #tpu.memory_space<vmem>>
      %dma_wait3A_729 = arith.constant 0 : i32
      %dma_wait3A_730 = tpu.memref_slice %arg5[%dma_wait3A_723, %dma_wait3A_729] : memref<100x64xi32, #tpu.memory_space<vmem>> -> memref<1x64xi32, #tpu.memory_space<vmem>>
      %dma_wait3A_731 = tpu.memref_squeeze %dma_wait3A_730 : memref<1x64xi32, #tpu.memory_space<vmem>> -> memref<64xi32, #tpu.memory_space<vmem>>
      %dma_wait3A_732 = arith.constant 0 : i32
      %dma_wait3A_733 = arith.constant 0 : i32
      %dma_wait3A_734 = tpu.memref_slice %arg3[%dma_wait3A_732, %dma_wait3A_733] : memref<100000x128xf32, #tpu.memory_space<hbm>> -> memref<100000x128xf32, #tpu.memory_space<hbm>>
      tpu.wait_indirect_dma semaphore(%arg15 : memref<!tpu.dma_semaphore, #tpu.memory_space<semaphore_mem>>) src(%dma_wait3A_734 : memref<100000x128xf32, #tpu.memory_space<hbm>>) dst(%dma_wait3A_728 : memref<64x128xf32, #tpu.memory_space<vmem>>)
      %sub3A_735 = arith.constant 5 : i32
      %sub3A_736 = arith.subi %add3A_698, %sub3A_735 : i32
      %mul3A_737 = arith.constant 64 : i32
      %mul3A_738 = arith.muli %sub3A_736, %mul3A_737 : i32
      %add3A_739 = arith.addi %mul3A_2, %mul3A_738 : i32
      %dma_start3A_740 = arith.constant 8 : i32
      %dma_start3A_741 = arith.constant 0 : i32
      %dma_start3A_742 = arith.constant 0 : i32
      %dma_start3A_743 = tpu.memref_slice %arg6[%dma_start3A_740, %dma_start3A_741, %dma_start3A_742] : memref<10x64x128xf32, #tpu.memory_space<vmem>> -> memref<1x64x128xf32, #tpu.memory_space<vmem>>
      %dma_start3A_744 = tpu.memref_squeeze %dma_start3A_743 : memref<1x64x128xf32, #tpu.memory_space<vmem>> -> memref<64x128xf32, #tpu.memory_space<vmem>>
      %dma_start3A_745 = arith.constant 0 : i32
      %dma_start3A_746 = tpu.memref_slice %arg4[%add3A_739, %dma_start3A_745] : memref<204800x128xf32, #tpu.memory_space<hbm>> -> memref<64x128xf32, #tpu.memory_space<hbm>>
      %dma_start3A_747 = arith.constant 0 : i32
      %dma_start3A_748 = tpu.memref_slice %arg4[%add3A_739, %dma_start3A_747] : memref<204800x128xf32, #tpu.memory_space<hbm>> -> memref<64x128xf32, #tpu.memory_space<hbm>>
      %dma_start3A_749 = arith.constant 0 : i32
      %dma_start3A_750 = arith.constant 0 : i32
      %dma_start3A_751 = tpu.memref_slice %arg6[%dma_start3A_740, %dma_start3A_749, %dma_start3A_750] : memref<10x64x128xf32, #tpu.memory_space<vmem>> -> memref<1x64x128xf32, #tpu.memory_space<vmem>>
      %dma_start3A_752 = tpu.memref_squeeze %dma_start3A_751 : memref<1x64x128xf32, #tpu.memory_space<vmem>> -> memref<64x128xf32, #tpu.memory_space<vmem>>
      tpu.enqueue_dma source(%dma_start3A_752 : memref<64x128xf32, #tpu.memory_space<vmem>>) target(%dma_start3A_748 : memref<64x128xf32, #tpu.memory_space<hbm>>) target_semaphore(%arg25 : memref<!tpu.dma_semaphore, #tpu.memory_space<semaphore_mem>>)
      %add3A_753 = arith.constant 4 : i32
      %add3A_754 = arith.addi %add3A_529, %add3A_753 : i32
      %dma_wait3A_755 = arith.constant 4 : i32
      %dma_wait3A_756 = arith.constant 0 : i32
      %dma_wait3A_757 = arith.constant 0 : i32
      %dma_wait3A_758 = tpu.memref_slice %arg6[%dma_wait3A_755, %dma_wait3A_756, %dma_wait3A_757] : memref<10x64x128xf32, #tpu.memory_space<vmem>> -> memref<1x64x128xf32, #tpu.memory_space<vmem>>
      %dma_wait3A_759 = tpu.memref_squeeze %dma_wait3A_758 : memref<1x64x128xf32, #tpu.memory_space<vmem>> -> memref<64x128xf32, #tpu.memory_space<vmem>>
      %dma_wait3A_760 = arith.constant 0 : i32
      %dma_wait3A_761 = tpu.memref_slice %arg4[%mul3A_2, %dma_wait3A_760] : memref<204800x128xf32, #tpu.memory_space<hbm>> -> memref<64x128xf32, #tpu.memory_space<hbm>>
      %dma_wait3A_762 = arith.constant 0 : i32
      %dma_wait3A_763 = tpu.memref_slice %arg4[%mul3A_2, %dma_wait3A_762] : memref<204800x128xf32, #tpu.memory_space<hbm>> -> memref<64x128xf32, #tpu.memory_space<hbm>>
      %dma_wait3A_764 = arith.constant 0 : i32
      %dma_wait3A_765 = arith.constant 0 : i32
      %dma_wait3A_766 = tpu.memref_slice %arg6[%dma_wait3A_755, %dma_wait3A_764, %dma_wait3A_765] : memref<10x64x128xf32, #tpu.memory_space<vmem>> -> memref<1x64x128xf32, #tpu.memory_space<vmem>>
      %dma_wait3A_767 = tpu.memref_squeeze %dma_wait3A_766 : memref<1x64x128xf32, #tpu.memory_space<vmem>> -> memref<64x128xf32, #tpu.memory_space<vmem>>
      tpu.wait_dma2 semaphore(%arg21 : memref<!tpu.dma_semaphore, #tpu.memory_space<semaphore_mem>>) src(%dma_wait3A_767 : memref<64x128xf32, #tpu.memory_space<vmem>>) dst(%dma_wait3A_763 : memref<64x128xf32, #tpu.memory_space<hbm>>)
      %dma_start3A_768 = arith.constant 4 : i32
      %dma_start3A_769 = arith.constant 0 : i32
      %dma_start3A_770 = arith.constant 0 : i32
      %dma_start3A_771 = tpu.memref_slice %arg6[%dma_start3A_768, %dma_start3A_769, %dma_start3A_770] : memref<10x64x128xf32, #tpu.memory_space<vmem>> -> memref<1x64x128xf32, #tpu.memory_space<vmem>>
      %dma_start3A_772 = tpu.memref_squeeze %dma_start3A_771 : memref<1x64x128xf32, #tpu.memory_space<vmem>> -> memref<64x128xf32, #tpu.memory_space<vmem>>
      %dma_start3A_773 = arith.constant 0 : i32
      %dma_start3A_774 = tpu.memref_slice %arg5[%add3A_754, %dma_start3A_773] : memref<100x64xi32, #tpu.memory_space<vmem>> -> memref<1x64xi32, #tpu.memory_space<vmem>>
      %dma_start3A_775 = tpu.memref_squeeze %dma_start3A_774 : memref<1x64xi32, #tpu.memory_space<vmem>> -> memref<64xi32, #tpu.memory_space<vmem>>
      %dma_start3A_776 = arith.constant 0 : i32
      %dma_start3A_777 = arith.constant 0 : i32
      %dma_start3A_778 = tpu.memref_slice %arg3[%dma_start3A_776, %dma_start3A_777] : memref<100000x128xf32, #tpu.memory_space<hbm>> -> memref<100000x128xf32, #tpu.memory_space<hbm>>
      tpu.enqueue_indirect_dma source(%dma_start3A_778 : memref<100000x128xf32, #tpu.memory_space<hbm>>) target(%dma_start3A_772 : memref<64x128xf32, #tpu.memory_space<vmem>>) offsets(%dma_start3A_775 : memref<64xi32, #tpu.memory_space<vmem>>) semaphore(%arg11 : memref<!tpu.dma_semaphore, #tpu.memory_space<semaphore_mem>>)
      %dma_wait3A_779 = arith.constant 0 : i32
      %dma_wait3A_780 = arith.constant 9 : i32
      %dma_wait3A_781 = arith.constant 0 : i32
      %dma_wait3A_782 = arith.constant 0 : i32
      %dma_wait3A_783 = tpu.memref_slice %arg6[%dma_wait3A_780, %dma_wait3A_781, %dma_wait3A_782] : memref<10x64x128xf32, #tpu.memory_space<vmem>> -> memref<1x64x128xf32, #tpu.memory_space<vmem>>
      %dma_wait3A_784 = tpu.memref_squeeze %dma_wait3A_783 : memref<1x64x128xf32, #tpu.memory_space<vmem>> -> memref<64x128xf32, #tpu.memory_space<vmem>>
      %dma_wait3A_785 = arith.constant 0 : i32
      %dma_wait3A_786 = tpu.memref_slice %arg5[%dma_wait3A_779, %dma_wait3A_785] : memref<100x64xi32, #tpu.memory_space<vmem>> -> memref<1x64xi32, #tpu.memory_space<vmem>>
      %dma_wait3A_787 = tpu.memref_squeeze %dma_wait3A_786 : memref<1x64xi32, #tpu.memory_space<vmem>> -> memref<64xi32, #tpu.memory_space<vmem>>
      %dma_wait3A_788 = arith.constant 0 : i32
      %dma_wait3A_789 = arith.constant 0 : i32
      %dma_wait3A_790 = tpu.memref_slice %arg3[%dma_wait3A_788, %dma_wait3A_789] : memref<100000x128xf32, #tpu.memory_space<hbm>> -> memref<100000x128xf32, #tpu.memory_space<hbm>>
      tpu.wait_indirect_dma semaphore(%arg16 : memref<!tpu.dma_semaphore, #tpu.memory_space<semaphore_mem>>) src(%dma_wait3A_790 : memref<100000x128xf32, #tpu.memory_space<hbm>>) dst(%dma_wait3A_784 : memref<64x128xf32, #tpu.memory_space<vmem>>)
      %sub3A_791 = arith.constant 5 : i32
      %sub3A_792 = arith.subi %add3A_754, %sub3A_791 : i32
      %mul3A_793 = arith.constant 64 : i32
      %mul3A_794 = arith.muli %sub3A_792, %mul3A_793 : i32
      %add3A_795 = arith.addi %mul3A_2, %mul3A_794 : i32
      %dma_start3A_796 = arith.constant 9 : i32
      %dma_start3A_797 = arith.constant 0 : i32
      %dma_start3A_798 = arith.constant 0 : i32
      %dma_start3A_799 = tpu.memref_slice %arg6[%dma_start3A_796, %dma_start3A_797, %dma_start3A_798] : memref<10x64x128xf32, #tpu.memory_space<vmem>> -> memref<1x64x128xf32, #tpu.memory_space<vmem>>
      %dma_start3A_800 = tpu.memref_squeeze %dma_start3A_799 : memref<1x64x128xf32, #tpu.memory_space<vmem>> -> memref<64x128xf32, #tpu.memory_space<vmem>>
      %dma_start3A_801 = arith.constant 0 : i32
      %dma_start3A_802 = tpu.memref_slice %arg4[%add3A_795, %dma_start3A_801] : memref<204800x128xf32, #tpu.memory_space<hbm>> -> memref<64x128xf32, #tpu.memory_space<hbm>>
      %dma_start3A_803 = arith.constant 0 : i32
      %dma_start3A_804 = tpu.memref_slice %arg4[%add3A_795, %dma_start3A_803] : memref<204800x128xf32, #tpu.memory_space<hbm>> -> memref<64x128xf32, #tpu.memory_space<hbm>>
      %dma_start3A_805 = arith.constant 0 : i32
      %dma_start3A_806 = arith.constant 0 : i32
      %dma_start3A_807 = tpu.memref_slice %arg6[%dma_start3A_796, %dma_start3A_805, %dma_start3A_806] : memref<10x64x128xf32, #tpu.memory_space<vmem>> -> memref<1x64x128xf32, #tpu.memory_space<vmem>>
      %dma_start3A_808 = tpu.memref_squeeze %dma_start3A_807 : memref<1x64x128xf32, #tpu.memory_space<vmem>> -> memref<64x128xf32, #tpu.memory_space<vmem>>
      tpu.enqueue_dma source(%dma_start3A_808 : memref<64x128xf32, #tpu.memory_space<vmem>>) target(%dma_start3A_804 : memref<64x128xf32, #tpu.memory_space<hbm>>) target_semaphore(%arg26 : memref<!tpu.dma_semaphore, #tpu.memory_space<semaphore_mem>>)
      %add3A_809 = arith.constant 5 : i32
      %add3A_810 = arith.addi %add3A_529, %add3A_809 : i32
      %dma_wait3A_811 = arith.constant 5 : i32
      %dma_wait3A_812 = arith.constant 0 : i32
      %dma_wait3A_813 = arith.constant 0 : i32
      %dma_wait3A_814 = tpu.memref_slice %arg6[%dma_wait3A_811, %dma_wait3A_812, %dma_wait3A_813] : memref<10x64x128xf32, #tpu.memory_space<vmem>> -> memref<1x64x128xf32, #tpu.memory_space<vmem>>
      %dma_wait3A_815 = tpu.memref_squeeze %dma_wait3A_814 : memref<1x64x128xf32, #tpu.memory_space<vmem>> -> memref<64x128xf32, #tpu.memory_space<vmem>>
      %dma_wait3A_816 = arith.constant 0 : i32
      %dma_wait3A_817 = tpu.memref_slice %arg4[%mul3A_2, %dma_wait3A_816] : memref<204800x128xf32, #tpu.memory_space<hbm>> -> memref<64x128xf32, #tpu.memory_space<hbm>>
      %dma_wait3A_818 = arith.constant 0 : i32
      %dma_wait3A_819 = tpu.memref_slice %arg4[%mul3A_2, %dma_wait3A_818] : memref<204800x128xf32, #tpu.memory_space<hbm>> -> memref<64x128xf32, #tpu.memory_space<hbm>>
      %dma_wait3A_820 = arith.constant 0 : i32
      %dma_wait3A_821 = arith.constant 0 : i32
      %dma_wait3A_822 = tpu.memref_slice %arg6[%dma_wait3A_811, %dma_wait3A_820, %dma_wait3A_821] : memref<10x64x128xf32, #tpu.memory_space<vmem>> -> memref<1x64x128xf32, #tpu.memory_space<vmem>>
      %dma_wait3A_823 = tpu.memref_squeeze %dma_wait3A_822 : memref<1x64x128xf32, #tpu.memory_space<vmem>> -> memref<64x128xf32, #tpu.memory_space<vmem>>
      tpu.wait_dma2 semaphore(%arg22 : memref<!tpu.dma_semaphore, #tpu.memory_space<semaphore_mem>>) src(%dma_wait3A_823 : memref<64x128xf32, #tpu.memory_space<vmem>>) dst(%dma_wait3A_819 : memref<64x128xf32, #tpu.memory_space<hbm>>)
      %dma_start3A_824 = arith.constant 5 : i32
      %dma_start3A_825 = arith.constant 0 : i32
      %dma_start3A_826 = arith.constant 0 : i32
      %dma_start3A_827 = tpu.memref_slice %arg6[%dma_start3A_824, %dma_start3A_825, %dma_start3A_826] : memref<10x64x128xf32, #tpu.memory_space<vmem>> -> memref<1x64x128xf32, #tpu.memory_space<vmem>>
      %dma_start3A_828 = tpu.memref_squeeze %dma_start3A_827 : memref<1x64x128xf32, #tpu.memory_space<vmem>> -> memref<64x128xf32, #tpu.memory_space<vmem>>
      %dma_start3A_829 = arith.constant 0 : i32
      %dma_start3A_830 = tpu.memref_slice %arg5[%add3A_810, %dma_start3A_829] : memref<100x64xi32, #tpu.memory_space<vmem>> -> memref<1x64xi32, #tpu.memory_space<vmem>>
      %dma_start3A_831 = tpu.memref_squeeze %dma_start3A_830 : memref<1x64xi32, #tpu.memory_space<vmem>> -> memref<64xi32, #tpu.memory_space<vmem>>
      %dma_start3A_832 = arith.constant 0 : i32
      %dma_start3A_833 = arith.constant 0 : i32
      %dma_start3A_834 = tpu.memref_slice %arg3[%dma_start3A_832, %dma_start3A_833] : memref<100000x128xf32, #tpu.memory_space<hbm>> -> memref<100000x128xf32, #tpu.memory_space<hbm>>
      tpu.enqueue_indirect_dma source(%dma_start3A_834 : memref<100000x128xf32, #tpu.memory_space<hbm>>) target(%dma_start3A_828 : memref<64x128xf32, #tpu.memory_space<vmem>>) offsets(%dma_start3A_831 : memref<64xi32, #tpu.memory_space<vmem>>) semaphore(%arg12 : memref<!tpu.dma_semaphore, #tpu.memory_space<semaphore_mem>>)
      %dma_wait3A_835 = arith.constant 0 : i32
      %dma_wait3A_836 = arith.constant 0 : i32
      %dma_wait3A_837 = arith.constant 0 : i32
      %dma_wait3A_838 = arith.constant 0 : i32
      %dma_wait3A_839 = tpu.memref_slice %arg6[%dma_wait3A_836, %dma_wait3A_837, %dma_wait3A_838] : memref<10x64x128xf32, #tpu.memory_space<vmem>> -> memref<1x64x128xf32, #tpu.memory_space<vmem>>
      %dma_wait3A_840 = tpu.memref_squeeze %dma_wait3A_839 : memref<1x64x128xf32, #tpu.memory_space<vmem>> -> memref<64x128xf32, #tpu.memory_space<vmem>>
      %dma_wait3A_841 = arith.constant 0 : i32
      %dma_wait3A_842 = tpu.memref_slice %arg5[%dma_wait3A_835, %dma_wait3A_841] : memref<100x64xi32, #tpu.memory_space<vmem>> -> memref<1x64xi32, #tpu.memory_space<vmem>>
      %dma_wait3A_843 = tpu.memref_squeeze %dma_wait3A_842 : memref<1x64xi32, #tpu.memory_space<vmem>> -> memref<64xi32, #tpu.memory_space<vmem>>
      %dma_wait3A_844 = arith.constant 0 : i32
      %dma_wait3A_845 = arith.constant 0 : i32
      %dma_wait3A_846 = tpu.memref_slice %arg3[%dma_wait3A_844, %dma_wait3A_845] : memref<100000x128xf32, #tpu.memory_space<hbm>> -> memref<100000x128xf32, #tpu.memory_space<hbm>>
      tpu.wait_indirect_dma semaphore(%arg7 : memref<!tpu.dma_semaphore, #tpu.memory_space<semaphore_mem>>) src(%dma_wait3A_846 : memref<100000x128xf32, #tpu.memory_space<hbm>>) dst(%dma_wait3A_840 : memref<64x128xf32, #tpu.memory_space<vmem>>)
      %sub3A_847 = arith.constant 5 : i32
      %sub3A_848 = arith.subi %add3A_810, %sub3A_847 : i32
      %mul3A_849 = arith.constant 64 : i32
      %mul3A_850 = arith.muli %sub3A_848, %mul3A_849 : i32
      %add3A_851 = arith.addi %mul3A_2, %mul3A_850 : i32
      %dma_start3A_852 = arith.constant 0 : i32
      %dma_start3A_853 = arith.constant 0 : i32
      %dma_start3A_854 = arith.constant 0 : i32
      %dma_start3A_855 = tpu.memref_slice %arg6[%dma_start3A_852, %dma_start3A_853, %dma_start3A_854] : memref<10x64x128xf32, #tpu.memory_space<vmem>> -> memref<1x64x128xf32, #tpu.memory_space<vmem>>
      %dma_start3A_856 = tpu.memref_squeeze %dma_start3A_855 : memref<1x64x128xf32, #tpu.memory_space<vmem>> -> memref<64x128xf32, #tpu.memory_space<vmem>>
      %dma_start3A_857 = arith.constant 0 : i32
      %dma_start3A_858 = tpu.memref_slice %arg4[%add3A_851, %dma_start3A_857] : memref<204800x128xf32, #tpu.memory_space<hbm>> -> memref<64x128xf32, #tpu.memory_space<hbm>>
      %dma_start3A_859 = arith.constant 0 : i32
      %dma_start3A_860 = tpu.memref_slice %arg4[%add3A_851, %dma_start3A_859] : memref<204800x128xf32, #tpu.memory_space<hbm>> -> memref<64x128xf32, #tpu.memory_space<hbm>>
      %dma_start3A_861 = arith.constant 0 : i32
      %dma_start3A_862 = arith.constant 0 : i32
      %dma_start3A_863 = tpu.memref_slice %arg6[%dma_start3A_852, %dma_start3A_861, %dma_start3A_862] : memref<10x64x128xf32, #tpu.memory_space<vmem>> -> memref<1x64x128xf32, #tpu.memory_space<vmem>>
      %dma_start3A_864 = tpu.memref_squeeze %dma_start3A_863 : memref<1x64x128xf32, #tpu.memory_space<vmem>> -> memref<64x128xf32, #tpu.memory_space<vmem>>
      tpu.enqueue_dma source(%dma_start3A_864 : memref<64x128xf32, #tpu.memory_space<vmem>>) target(%dma_start3A_860 : memref<64x128xf32, #tpu.memory_space<hbm>>) target_semaphore(%arg17 : memref<!tpu.dma_semaphore, #tpu.memory_space<semaphore_mem>>)
      %add3A_865 = arith.constant 6 : i32
      %add3A_866 = arith.addi %add3A_529, %add3A_865 : i32
      %dma_wait3A_867 = arith.constant 6 : i32
      %dma_wait3A_868 = arith.constant 0 : i32
      %dma_wait3A_869 = arith.constant 0 : i32
      %dma_wait3A_870 = tpu.memref_slice %arg6[%dma_wait3A_867, %dma_wait3A_868, %dma_wait3A_869] : memref<10x64x128xf32, #tpu.memory_space<vmem>> -> memref<1x64x128xf32, #tpu.memory_space<vmem>>
      %dma_wait3A_871 = tpu.memref_squeeze %dma_wait3A_870 : memref<1x64x128xf32, #tpu.memory_space<vmem>> -> memref<64x128xf32, #tpu.memory_space<vmem>>
      %dma_wait3A_872 = arith.constant 0 : i32
      %dma_wait3A_873 = tpu.memref_slice %arg4[%mul3A_2, %dma_wait3A_872] : memref<204800x128xf32, #tpu.memory_space<hbm>> -> memref<64x128xf32, #tpu.memory_space<hbm>>
      %dma_wait3A_874 = arith.constant 0 : i32
      %dma_wait3A_875 = tpu.memref_slice %arg4[%mul3A_2, %dma_wait3A_874] : memref<204800x128xf32, #tpu.memory_space<hbm>> -> memref<64x128xf32, #tpu.memory_space<hbm>>
      %dma_wait3A_876 = arith.constant 0 : i32
      %dma_wait3A_877 = arith.constant 0 : i32
      %dma_wait3A_878 = tpu.memref_slice %arg6[%dma_wait3A_867, %dma_wait3A_876, %dma_wait3A_877] : memref<10x64x128xf32, #tpu.memory_space<vmem>> -> memref<1x64x128xf32, #tpu.memory_space<vmem>>
      %dma_wait3A_879 = tpu.memref_squeeze %dma_wait3A_878 : memref<1x64x128xf32, #tpu.memory_space<vmem>> -> memref<64x128xf32, #tpu.memory_space<vmem>>
      tpu.wait_dma2 semaphore(%arg23 : memref<!tpu.dma_semaphore, #tpu.memory_space<semaphore_mem>>) src(%dma_wait3A_879 : memref<64x128xf32, #tpu.memory_space<vmem>>) dst(%dma_wait3A_875 : memref<64x128xf32, #tpu.memory_space<hbm>>)
      %dma_start3A_880 = arith.constant 6 : i32
      %dma_start3A_881 = arith.constant 0 : i32
      %dma_start3A_882 = arith.constant 0 : i32
      %dma_start3A_883 = tpu.memref_slice %arg6[%dma_start3A_880, %dma_start3A_881, %dma_start3A_882] : memref<10x64x128xf32, #tpu.memory_space<vmem>> -> memref<1x64x128xf32, #tpu.memory_space<vmem>>
      %dma_start3A_884 = tpu.memref_squeeze %dma_start3A_883 : memref<1x64x128xf32, #tpu.memory_space<vmem>> -> memref<64x128xf32, #tpu.memory_space<vmem>>
      %dma_start3A_885 = arith.constant 0 : i32
      %dma_start3A_886 = tpu.memref_slice %arg5[%add3A_866, %dma_start3A_885] : memref<100x64xi32, #tpu.memory_space<vmem>> -> memref<1x64xi32, #tpu.memory_space<vmem>>
      %dma_start3A_887 = tpu.memref_squeeze %dma_start3A_886 : memref<1x64xi32, #tpu.memory_space<vmem>> -> memref<64xi32, #tpu.memory_space<vmem>>
      %dma_start3A_888 = arith.constant 0 : i32
      %dma_start3A_889 = arith.constant 0 : i32
      %dma_start3A_890 = tpu.memref_slice %arg3[%dma_start3A_888, %dma_start3A_889] : memref<100000x128xf32, #tpu.memory_space<hbm>> -> memref<100000x128xf32, #tpu.memory_space<hbm>>
      tpu.enqueue_indirect_dma source(%dma_start3A_890 : memref<100000x128xf32, #tpu.memory_space<hbm>>) target(%dma_start3A_884 : memref<64x128xf32, #tpu.memory_space<vmem>>) offsets(%dma_start3A_887 : memref<64xi32, #tpu.memory_space<vmem>>) semaphore(%arg13 : memref<!tpu.dma_semaphore, #tpu.memory_space<semaphore_mem>>)
      %dma_wait3A_891 = arith.constant 0 : i32
      %dma_wait3A_892 = arith.constant 1 : i32
      %dma_wait3A_893 = arith.constant 0 : i32
      %dma_wait3A_894 = arith.constant 0 : i32
      %dma_wait3A_895 = tpu.memref_slice %arg6[%dma_wait3A_892, %dma_wait3A_893, %dma_wait3A_894] : memref<10x64x128xf32, #tpu.memory_space<vmem>> -> memref<1x64x128xf32, #tpu.memory_space<vmem>>
      %dma_wait3A_896 = tpu.memref_squeeze %dma_wait3A_895 : memref<1x64x128xf32, #tpu.memory_space<vmem>> -> memref<64x128xf32, #tpu.memory_space<vmem>>
      %dma_wait3A_897 = arith.constant 0 : i32
      %dma_wait3A_898 = tpu.memref_slice %arg5[%dma_wait3A_891, %dma_wait3A_897] : memref<100x64xi32, #tpu.memory_space<vmem>> -> memref<1x64xi32, #tpu.memory_space<vmem>>
      %dma_wait3A_899 = tpu.memref_squeeze %dma_wait3A_898 : memref<1x64xi32, #tpu.memory_space<vmem>> -> memref<64xi32, #tpu.memory_space<vmem>>
      %dma_wait3A_900 = arith.constant 0 : i32
      %dma_wait3A_901 = arith.constant 0 : i32
      %dma_wait3A_902 = tpu.memref_slice %arg3[%dma_wait3A_900, %dma_wait3A_901] : memref<100000x128xf32, #tpu.memory_space<hbm>> -> memref<100000x128xf32, #tpu.memory_space<hbm>>
      tpu.wait_indirect_dma semaphore(%arg8 : memref<!tpu.dma_semaphore, #tpu.memory_space<semaphore_mem>>) src(%dma_wait3A_902 : memref<100000x128xf32, #tpu.memory_space<hbm>>) dst(%dma_wait3A_896 : memref<64x128xf32, #tpu.memory_space<vmem>>)
      %sub3A_903 = arith.constant 5 : i32
      %sub3A_904 = arith.subi %add3A_866, %sub3A_903 : i32
      %mul3A_905 = arith.constant 64 : i32
      %mul3A_906 = arith.muli %sub3A_904, %mul3A_905 : i32
      %add3A_907 = arith.addi %mul3A_2, %mul3A_906 : i32
      %dma_start3A_908 = arith.constant 1 : i32
      %dma_start3A_909 = arith.constant 0 : i32
      %dma_start3A_910 = arith.constant 0 : i32
      %dma_start3A_911 = tpu.memref_slice %arg6[%dma_start3A_908, %dma_start3A_909, %dma_start3A_910] : memref<10x64x128xf32, #tpu.memory_space<vmem>> -> memref<1x64x128xf32, #tpu.memory_space<vmem>>
      %dma_start3A_912 = tpu.memref_squeeze %dma_start3A_911 : memref<1x64x128xf32, #tpu.memory_space<vmem>> -> memref<64x128xf32, #tpu.memory_space<vmem>>
      %dma_start3A_913 = arith.constant 0 : i32
      %dma_start3A_914 = tpu.memref_slice %arg4[%add3A_907, %dma_start3A_913] : memref<204800x128xf32, #tpu.memory_space<hbm>> -> memref<64x128xf32, #tpu.memory_space<hbm>>
      %dma_start3A_915 = arith.constant 0 : i32
      %dma_start3A_916 = tpu.memref_slice %arg4[%add3A_907, %dma_start3A_915] : memref<204800x128xf32, #tpu.memory_space<hbm>> -> memref<64x128xf32, #tpu.memory_space<hbm>>
      %dma_start3A_917 = arith.constant 0 : i32
      %dma_start3A_918 = arith.constant 0 : i32
      %dma_start3A_919 = tpu.memref_slice %arg6[%dma_start3A_908, %dma_start3A_917, %dma_start3A_918] : memref<10x64x128xf32, #tpu.memory_space<vmem>> -> memref<1x64x128xf32, #tpu.memory_space<vmem>>
      %dma_start3A_920 = tpu.memref_squeeze %dma_start3A_919 : memref<1x64x128xf32, #tpu.memory_space<vmem>> -> memref<64x128xf32, #tpu.memory_space<vmem>>
      tpu.enqueue_dma source(%dma_start3A_920 : memref<64x128xf32, #tpu.memory_space<vmem>>) target(%dma_start3A_916 : memref<64x128xf32, #tpu.memory_space<hbm>>) target_semaphore(%arg18 : memref<!tpu.dma_semaphore, #tpu.memory_space<semaphore_mem>>)
      %add3A_921 = arith.constant 7 : i32
      %add3A_922 = arith.addi %add3A_529, %add3A_921 : i32
      %dma_wait3A_923 = arith.constant 7 : i32
      %dma_wait3A_924 = arith.constant 0 : i32
      %dma_wait3A_925 = arith.constant 0 : i32
      %dma_wait3A_926 = tpu.memref_slice %arg6[%dma_wait3A_923, %dma_wait3A_924, %dma_wait3A_925] : memref<10x64x128xf32, #tpu.memory_space<vmem>> -> memref<1x64x128xf32, #tpu.memory_space<vmem>>
      %dma_wait3A_927 = tpu.memref_squeeze %dma_wait3A_926 : memref<1x64x128xf32, #tpu.memory_space<vmem>> -> memref<64x128xf32, #tpu.memory_space<vmem>>
      %dma_wait3A_928 = arith.constant 0 : i32
      %dma_wait3A_929 = tpu.memref_slice %arg4[%mul3A_2, %dma_wait3A_928] : memref<204800x128xf32, #tpu.memory_space<hbm>> -> memref<64x128xf32, #tpu.memory_space<hbm>>
      %dma_wait3A_930 = arith.constant 0 : i32
      %dma_wait3A_931 = tpu.memref_slice %arg4[%mul3A_2, %dma_wait3A_930] : memref<204800x128xf32, #tpu.memory_space<hbm>> -> memref<64x128xf32, #tpu.memory_space<hbm>>
      %dma_wait3A_932 = arith.constant 0 : i32
      %dma_wait3A_933 = arith.constant 0 : i32
      %dma_wait3A_934 = tpu.memref_slice %arg6[%dma_wait3A_923, %dma_wait3A_932, %dma_wait3A_933] : memref<10x64x128xf32, #tpu.memory_space<vmem>> -> memref<1x64x128xf32, #tpu.memory_space<vmem>>
      %dma_wait3A_935 = tpu.memref_squeeze %dma_wait3A_934 : memref<1x64x128xf32, #tpu.memory_space<vmem>> -> memref<64x128xf32, #tpu.memory_space<vmem>>
      tpu.wait_dma2 semaphore(%arg24 : memref<!tpu.dma_semaphore, #tpu.memory_space<semaphore_mem>>) src(%dma_wait3A_935 : memref<64x128xf32, #tpu.memory_space<vmem>>) dst(%dma_wait3A_931 : memref<64x128xf32, #tpu.memory_space<hbm>>)
      %dma_start3A_936 = arith.constant 7 : i32
      %dma_start3A_937 = arith.constant 0 : i32
      %dma_start3A_938 = arith.constant 0 : i32
      %dma_start3A_939 = tpu.memref_slice %arg6[%dma_start3A_936, %dma_start3A_937, %dma_start3A_938] : memref<10x64x128xf32, #tpu.memory_space<vmem>> -> memref<1x64x128xf32, #tpu.memory_space<vmem>>
      %dma_start3A_940 = tpu.memref_squeeze %dma_start3A_939 : memref<1x64x128xf32, #tpu.memory_space<vmem>> -> memref<64x128xf32, #tpu.memory_space<vmem>>
      %dma_start3A_941 = arith.constant 0 : i32
      %dma_start3A_942 = tpu.memref_slice %arg5[%add3A_922, %dma_start3A_941] : memref<100x64xi32, #tpu.memory_space<vmem>> -> memref<1x64xi32, #tpu.memory_space<vmem>>
      %dma_start3A_943 = tpu.memref_squeeze %dma_start3A_942 : memref<1x64xi32, #tpu.memory_space<vmem>> -> memref<64xi32, #tpu.memory_space<vmem>>
      %dma_start3A_944 = arith.constant 0 : i32
      %dma_start3A_945 = arith.constant 0 : i32
      %dma_start3A_946 = tpu.memref_slice %arg3[%dma_start3A_944, %dma_start3A_945] : memref<100000x128xf32, #tpu.memory_space<hbm>> -> memref<100000x128xf32, #tpu.memory_space<hbm>>
      tpu.enqueue_indirect_dma source(%dma_start3A_946 : memref<100000x128xf32, #tpu.memory_space<hbm>>) target(%dma_start3A_940 : memref<64x128xf32, #tpu.memory_space<vmem>>) offsets(%dma_start3A_943 : memref<64xi32, #tpu.memory_space<vmem>>) semaphore(%arg14 : memref<!tpu.dma_semaphore, #tpu.memory_space<semaphore_mem>>)
      %dma_wait3A_947 = arith.constant 0 : i32
      %dma_wait3A_948 = arith.constant 2 : i32
      %dma_wait3A_949 = arith.constant 0 : i32
      %dma_wait3A_950 = arith.constant 0 : i32
      %dma_wait3A_951 = tpu.memref_slice %arg6[%dma_wait3A_948, %dma_wait3A_949, %dma_wait3A_950] : memref<10x64x128xf32, #tpu.memory_space<vmem>> -> memref<1x64x128xf32, #tpu.memory_space<vmem>>
      %dma_wait3A_952 = tpu.memref_squeeze %dma_wait3A_951 : memref<1x64x128xf32, #tpu.memory_space<vmem>> -> memref<64x128xf32, #tpu.memory_space<vmem>>
      %dma_wait3A_953 = arith.constant 0 : i32
      %dma_wait3A_954 = tpu.memref_slice %arg5[%dma_wait3A_947, %dma_wait3A_953] : memref<100x64xi32, #tpu.memory_space<vmem>> -> memref<1x64xi32, #tpu.memory_space<vmem>>
      %dma_wait3A_955 = tpu.memref_squeeze %dma_wait3A_954 : memref<1x64xi32, #tpu.memory_space<vmem>> -> memref<64xi32, #tpu.memory_space<vmem>>
      %dma_wait3A_956 = arith.constant 0 : i32
      %dma_wait3A_957 = arith.constant 0 : i32
      %dma_wait3A_958 = tpu.memref_slice %arg3[%dma_wait3A_956, %dma_wait3A_957] : memref<100000x128xf32, #tpu.memory_space<hbm>> -> memref<100000x128xf32, #tpu.memory_space<hbm>>
      tpu.wait_indirect_dma semaphore(%arg9 : memref<!tpu.dma_semaphore, #tpu.memory_space<semaphore_mem>>) src(%dma_wait3A_958 : memref<100000x128xf32, #tpu.memory_space<hbm>>) dst(%dma_wait3A_952 : memref<64x128xf32, #tpu.memory_space<vmem>>)
      %sub3A_959 = arith.constant 5 : i32
      %sub3A_960 = arith.subi %add3A_922, %sub3A_959 : i32
      %mul3A_961 = arith.constant 64 : i32
      %mul3A_962 = arith.muli %sub3A_960, %mul3A_961 : i32
      %add3A_963 = arith.addi %mul3A_2, %mul3A_962 : i32
      %dma_start3A_964 = arith.constant 2 : i32
      %dma_start3A_965 = arith.constant 0 : i32
      %dma_start3A_966 = arith.constant 0 : i32
      %dma_start3A_967 = tpu.memref_slice %arg6[%dma_start3A_964, %dma_start3A_965, %dma_start3A_966] : memref<10x64x128xf32, #tpu.memory_space<vmem>> -> memref<1x64x128xf32, #tpu.memory_space<vmem>>
      %dma_start3A_968 = tpu.memref_squeeze %dma_start3A_967 : memref<1x64x128xf32, #tpu.memory_space<vmem>> -> memref<64x128xf32, #tpu.memory_space<vmem>>
      %dma_start3A_969 = arith.constant 0 : i32
      %dma_start3A_970 = tpu.memref_slice %arg4[%add3A_963, %dma_start3A_969] : memref<204800x128xf32, #tpu.memory_space<hbm>> -> memref<64x128xf32, #tpu.memory_space<hbm>>
      %dma_start3A_971 = arith.constant 0 : i32
      %dma_start3A_972 = tpu.memref_slice %arg4[%add3A_963, %dma_start3A_971] : memref<204800x128xf32, #tpu.memory_space<hbm>> -> memref<64x128xf32, #tpu.memory_space<hbm>>
      %dma_start3A_973 = arith.constant 0 : i32
      %dma_start3A_974 = arith.constant 0 : i32
      %dma_start3A_975 = tpu.memref_slice %arg6[%dma_start3A_964, %dma_start3A_973, %dma_start3A_974] : memref<10x64x128xf32, #tpu.memory_space<vmem>> -> memref<1x64x128xf32, #tpu.memory_space<vmem>>
      %dma_start3A_976 = tpu.memref_squeeze %dma_start3A_975 : memref<1x64x128xf32, #tpu.memory_space<vmem>> -> memref<64x128xf32, #tpu.memory_space<vmem>>
      tpu.enqueue_dma source(%dma_start3A_976 : memref<64x128xf32, #tpu.memory_space<vmem>>) target(%dma_start3A_972 : memref<64x128xf32, #tpu.memory_space<hbm>>) target_semaphore(%arg19 : memref<!tpu.dma_semaphore, #tpu.memory_space<semaphore_mem>>)
      %add3A_977 = arith.constant 8 : i32
      %add3A_978 = arith.addi %add3A_529, %add3A_977 : i32
      %dma_wait3A_979 = arith.constant 8 : i32
      %dma_wait3A_980 = arith.constant 0 : i32
      %dma_wait3A_981 = arith.constant 0 : i32
      %dma_wait3A_982 = tpu.memref_slice %arg6[%dma_wait3A_979, %dma_wait3A_980, %dma_wait3A_981] : memref<10x64x128xf32, #tpu.memory_space<vmem>> -> memref<1x64x128xf32, #tpu.memory_space<vmem>>
      %dma_wait3A_983 = tpu.memref_squeeze %dma_wait3A_982 : memref<1x64x128xf32, #tpu.memory_space<vmem>> -> memref<64x128xf32, #tpu.memory_space<vmem>>
      %dma_wait3A_984 = arith.constant 0 : i32
      %dma_wait3A_985 = tpu.memref_slice %arg4[%mul3A_2, %dma_wait3A_984] : memref<204800x128xf32, #tpu.memory_space<hbm>> -> memref<64x128xf32, #tpu.memory_space<hbm>>
      %dma_wait3A_986 = arith.constant 0 : i32
      %dma_wait3A_987 = tpu.memref_slice %arg4[%mul3A_2, %dma_wait3A_986] : memref<204800x128xf32, #tpu.memory_space<hbm>> -> memref<64x128xf32, #tpu.memory_space<hbm>>
      %dma_wait3A_988 = arith.constant 0 : i32
      %dma_wait3A_989 = arith.constant 0 : i32
      %dma_wait3A_990 = tpu.memref_slice %arg6[%dma_wait3A_979, %dma_wait3A_988, %dma_wait3A_989] : memref<10x64x128xf32, #tpu.memory_space<vmem>> -> memref<1x64x128xf32, #tpu.memory_space<vmem>>
      %dma_wait3A_991 = tpu.memref_squeeze %dma_wait3A_990 : memref<1x64x128xf32, #tpu.memory_space<vmem>> -> memref<64x128xf32, #tpu.memory_space<vmem>>
      tpu.wait_dma2 semaphore(%arg25 : memref<!tpu.dma_semaphore, #tpu.memory_space<semaphore_mem>>) src(%dma_wait3A_991 : memref<64x128xf32, #tpu.memory_space<vmem>>) dst(%dma_wait3A_987 : memref<64x128xf32, #tpu.memory_space<hbm>>)
      %dma_start3A_992 = arith.constant 8 : i32
      %dma_start3A_993 = arith.constant 0 : i32
      %dma_start3A_994 = arith.constant 0 : i32
      %dma_start3A_995 = tpu.memref_slice %arg6[%dma_start3A_992, %dma_start3A_993, %dma_start3A_994] : memref<10x64x128xf32, #tpu.memory_space<vmem>> -> memref<1x64x128xf32, #tpu.memory_space<vmem>>
      %dma_start3A_996 = tpu.memref_squeeze %dma_start3A_995 : memref<1x64x128xf32, #tpu.memory_space<vmem>> -> memref<64x128xf32, #tpu.memory_space<vmem>>
      %dma_start3A_997 = arith.constant 0 : i32
      %dma_start3A_998 = tpu.memref_slice %arg5[%add3A_978, %dma_start3A_997] : memref<100x64xi32, #tpu.memory_space<vmem>> -> memref<1x64xi32, #tpu.memory_space<vmem>>
      %dma_start3A_999 = tpu.memref_squeeze %dma_start3A_998 : memref<1x64xi32, #tpu.memory_space<vmem>> -> memref<64xi32, #tpu.memory_space<vmem>>
      %dma_start3A_1000 = arith.constant 0 : i32
      %dma_start3A_1001 = arith.constant 0 : i32
      %dma_start3A_1002 = tpu.memref_slice %arg3[%dma_start3A_1000, %dma_start3A_1001] : memref<100000x128xf32, #tpu.memory_space<hbm>> -> memref<100000x128xf32, #tpu.memory_space<hbm>>
      tpu.enqueue_indirect_dma source(%dma_start3A_1002 : memref<100000x128xf32, #tpu.memory_space<hbm>>) target(%dma_start3A_996 : memref<64x128xf32, #tpu.memory_space<vmem>>) offsets(%dma_start3A_999 : memref<64xi32, #tpu.memory_space<vmem>>) semaphore(%arg15 : memref<!tpu.dma_semaphore, #tpu.memory_space<semaphore_mem>>)
      %dma_wait3A_1003 = arith.constant 0 : i32
      %dma_wait3A_1004 = arith.constant 3 : i32
      %dma_wait3A_1005 = arith.constant 0 : i32
      %dma_wait3A_1006 = arith.constant 0 : i32
      %dma_wait3A_1007 = tpu.memref_slice %arg6[%dma_wait3A_1004, %dma_wait3A_1005, %dma_wait3A_1006] : memref<10x64x128xf32, #tpu.memory_space<vmem>> -> memref<1x64x128xf32, #tpu.memory_space<vmem>>
      %dma_wait3A_1008 = tpu.memref_squeeze %dma_wait3A_1007 : memref<1x64x128xf32, #tpu.memory_space<vmem>> -> memref<64x128xf32, #tpu.memory_space<vmem>>
      %dma_wait3A_1009 = arith.constant 0 : i32
      %dma_wait3A_1010 = tpu.memref_slice %arg5[%dma_wait3A_1003, %dma_wait3A_1009] : memref<100x64xi32, #tpu.memory_space<vmem>> -> memref<1x64xi32, #tpu.memory_space<vmem>>
      %dma_wait3A_1011 = tpu.memref_squeeze %dma_wait3A_1010 : memref<1x64xi32, #tpu.memory_space<vmem>> -> memref<64xi32, #tpu.memory_space<vmem>>
      %dma_wait3A_1012 = arith.constant 0 : i32
      %dma_wait3A_1013 = arith.constant 0 : i32
      %dma_wait3A_1014 = tpu.memref_slice %arg3[%dma_wait3A_1012, %dma_wait3A_1013] : memref<100000x128xf32, #tpu.memory_space<hbm>> -> memref<100000x128xf32, #tpu.memory_space<hbm>>
      tpu.wait_indirect_dma semaphore(%arg10 : memref<!tpu.dma_semaphore, #tpu.memory_space<semaphore_mem>>) src(%dma_wait3A_1014 : memref<100000x128xf32, #tpu.memory_space<hbm>>) dst(%dma_wait3A_1008 : memref<64x128xf32, #tpu.memory_space<vmem>>)
      %sub3A_1015 = arith.constant 5 : i32
      %sub3A_1016 = arith.subi %add3A_978, %sub3A_1015 : i32
      %mul3A_1017 = arith.constant 64 : i32
      %mul3A_1018 = arith.muli %sub3A_1016, %mul3A_1017 : i32
      %add3A_1019 = arith.addi %mul3A_2, %mul3A_1018 : i32
      %dma_start3A_1020 = arith.constant 3 : i32
      %dma_start3A_1021 = arith.constant 0 : i32
      %dma_start3A_1022 = arith.constant 0 : i32
      %dma_start3A_1023 = tpu.memref_slice %arg6[%dma_start3A_1020, %dma_start3A_1021, %dma_start3A_1022] : memref<10x64x128xf32, #tpu.memory_space<vmem>> -> memref<1x64x128xf32, #tpu.memory_space<vmem>>
      %dma_start3A_1024 = tpu.memref_squeeze %dma_start3A_1023 : memref<1x64x128xf32, #tpu.memory_space<vmem>> -> memref<64x128xf32, #tpu.memory_space<vmem>>
      %dma_start3A_1025 = arith.constant 0 : i32
      %dma_start3A_1026 = tpu.memref_slice %arg4[%add3A_1019, %dma_start3A_1025] : memref<204800x128xf32, #tpu.memory_space<hbm>> -> memref<64x128xf32, #tpu.memory_space<hbm>>
      %dma_start3A_1027 = arith.constant 0 : i32
      %dma_start3A_1028 = tpu.memref_slice %arg4[%add3A_1019, %dma_start3A_1027] : memref<204800x128xf32, #tpu.memory_space<hbm>> -> memref<64x128xf32, #tpu.memory_space<hbm>>
      %dma_start3A_1029 = arith.constant 0 : i32
      %dma_start3A_1030 = arith.constant 0 : i32
      %dma_start3A_1031 = tpu.memref_slice %arg6[%dma_start3A_1020, %dma_start3A_1029, %dma_start3A_1030] : memref<10x64x128xf32, #tpu.memory_space<vmem>> -> memref<1x64x128xf32, #tpu.memory_space<vmem>>
      %dma_start3A_1032 = tpu.memref_squeeze %dma_start3A_1031 : memref<1x64x128xf32, #tpu.memory_space<vmem>> -> memref<64x128xf32, #tpu.memory_space<vmem>>
      tpu.enqueue_dma source(%dma_start3A_1032 : memref<64x128xf32, #tpu.memory_space<vmem>>) target(%dma_start3A_1028 : memref<64x128xf32, #tpu.memory_space<hbm>>) target_semaphore(%arg20 : memref<!tpu.dma_semaphore, #tpu.memory_space<semaphore_mem>>)
      %add3A_1033 = arith.constant 9 : i32
      %add3A_1034 = arith.addi %add3A_529, %add3A_1033 : i32
      %dma_wait3A_1035 = arith.constant 9 : i32
      %dma_wait3A_1036 = arith.constant 0 : i32
      %dma_wait3A_1037 = arith.constant 0 : i32
      %dma_wait3A_1038 = tpu.memref_slice %arg6[%dma_wait3A_1035, %dma_wait3A_1036, %dma_wait3A_1037] : memref<10x64x128xf32, #tpu.memory_space<vmem>> -> memref<1x64x128xf32, #tpu.memory_space<vmem>>
      %dma_wait3A_1039 = tpu.memref_squeeze %dma_wait3A_1038 : memref<1x64x128xf32, #tpu.memory_space<vmem>> -> memref<64x128xf32, #tpu.memory_space<vmem>>
      %dma_wait3A_1040 = arith.constant 0 : i32
      %dma_wait3A_1041 = tpu.memref_slice %arg4[%mul3A_2, %dma_wait3A_1040] : memref<204800x128xf32, #tpu.memory_space<hbm>> -> memref<64x128xf32, #tpu.memory_space<hbm>>
      %dma_wait3A_1042 = arith.constant 0 : i32
      %dma_wait3A_1043 = tpu.memref_slice %arg4[%mul3A_2, %dma_wait3A_1042] : memref<204800x128xf32, #tpu.memory_space<hbm>> -> memref<64x128xf32, #tpu.memory_space<hbm>>
      %dma_wait3A_1044 = arith.constant 0 : i32
      %dma_wait3A_1045 = arith.constant 0 : i32
      %dma_wait3A_1046 = tpu.memref_slice %arg6[%dma_wait3A_1035, %dma_wait3A_1044, %dma_wait3A_1045] : memref<10x64x128xf32, #tpu.memory_space<vmem>> -> memref<1x64x128xf32, #tpu.memory_space<vmem>>
      %dma_wait3A_1047 = tpu.memref_squeeze %dma_wait3A_1046 : memref<1x64x128xf32, #tpu.memory_space<vmem>> -> memref<64x128xf32, #tpu.memory_space<vmem>>
      tpu.wait_dma2 semaphore(%arg26 : memref<!tpu.dma_semaphore, #tpu.memory_space<semaphore_mem>>) src(%dma_wait3A_1047 : memref<64x128xf32, #tpu.memory_space<vmem>>) dst(%dma_wait3A_1043 : memref<64x128xf32, #tpu.memory_space<hbm>>)
      %dma_start3A_1048 = arith.constant 9 : i32
      %dma_start3A_1049 = arith.constant 0 : i32
      %dma_start3A_1050 = arith.constant 0 : i32
      %dma_start3A_1051 = tpu.memref_slice %arg6[%dma_start3A_1048, %dma_start3A_1049, %dma_start3A_1050] : memref<10x64x128xf32, #tpu.memory_space<vmem>> -> memref<1x64x128xf32, #tpu.memory_space<vmem>>
      %dma_start3A_1052 = tpu.memref_squeeze %dma_start3A_1051 : memref<1x64x128xf32, #tpu.memory_space<vmem>> -> memref<64x128xf32, #tpu.memory_space<vmem>>
      %dma_start3A_1053 = arith.constant 0 : i32
      %dma_start3A_1054 = tpu.memref_slice %arg5[%add3A_1034, %dma_start3A_1053] : memref<100x64xi32, #tpu.memory_space<vmem>> -> memref<1x64xi32, #tpu.memory_space<vmem>>
      %dma_start3A_1055 = tpu.memref_squeeze %dma_start3A_1054 : memref<1x64xi32, #tpu.memory_space<vmem>> -> memref<64xi32, #tpu.memory_space<vmem>>
      %dma_start3A_1056 = arith.constant 0 : i32
      %dma_start3A_1057 = arith.constant 0 : i32
      %dma_start3A_1058 = tpu.memref_slice %arg3[%dma_start3A_1056, %dma_start3A_1057] : memref<100000x128xf32, #tpu.memory_space<hbm>> -> memref<100000x128xf32, #tpu.memory_space<hbm>>
      tpu.enqueue_indirect_dma source(%dma_start3A_1058 : memref<100000x128xf32, #tpu.memory_space<hbm>>) target(%dma_start3A_1052 : memref<64x128xf32, #tpu.memory_space<vmem>>) offsets(%dma_start3A_1055 : memref<64xi32, #tpu.memory_space<vmem>>) semaphore(%arg16 : memref<!tpu.dma_semaphore, #tpu.memory_space<semaphore_mem>>)
      %dma_wait3A_1059 = arith.constant 0 : i32
      %dma_wait3A_1060 = arith.constant 4 : i32
      %dma_wait3A_1061 = arith.constant 0 : i32
      %dma_wait3A_1062 = arith.constant 0 : i32
      %dma_wait3A_1063 = tpu.memref_slice %arg6[%dma_wait3A_1060, %dma_wait3A_1061, %dma_wait3A_1062] : memref<10x64x128xf32, #tpu.memory_space<vmem>> -> memref<1x64x128xf32, #tpu.memory_space<vmem>>
      %dma_wait3A_1064 = tpu.memref_squeeze %dma_wait3A_1063 : memref<1x64x128xf32, #tpu.memory_space<vmem>> -> memref<64x128xf32, #tpu.memory_space<vmem>>
      %dma_wait3A_1065 = arith.constant 0 : i32
      %dma_wait3A_1066 = tpu.memref_slice %arg5[%dma_wait3A_1059, %dma_wait3A_1065] : memref<100x64xi32, #tpu.memory_space<vmem>> -> memref<1x64xi32, #tpu.memory_space<vmem>>
      %dma_wait3A_1067 = tpu.memref_squeeze %dma_wait3A_1066 : memref<1x64xi32, #tpu.memory_space<vmem>> -> memref<64xi32, #tpu.memory_space<vmem>>
      %dma_wait3A_1068 = arith.constant 0 : i32
      %dma_wait3A_1069 = arith.constant 0 : i32
      %dma_wait3A_1070 = tpu.memref_slice %arg3[%dma_wait3A_1068, %dma_wait3A_1069] : memref<100000x128xf32, #tpu.memory_space<hbm>> -> memref<100000x128xf32, #tpu.memory_space<hbm>>
      tpu.wait_indirect_dma semaphore(%arg11 : memref<!tpu.dma_semaphore, #tpu.memory_space<semaphore_mem>>) src(%dma_wait3A_1070 : memref<100000x128xf32, #tpu.memory_space<hbm>>) dst(%dma_wait3A_1064 : memref<64x128xf32, #tpu.memory_space<vmem>>)
      %sub3A_1071 = arith.constant 5 : i32
      %sub3A_1072 = arith.subi %add3A_1034, %sub3A_1071 : i32
      %mul3A_1073 = arith.constant 64 : i32
      %mul3A_1074 = arith.muli %sub3A_1072, %mul3A_1073 : i32
      %add3A_1075 = arith.addi %mul3A_2, %mul3A_1074 : i32
      %dma_start3A_1076 = arith.constant 4 : i32
      %dma_start3A_1077 = arith.constant 0 : i32
      %dma_start3A_1078 = arith.constant 0 : i32
      %dma_start3A_1079 = tpu.memref_slice %arg6[%dma_start3A_1076, %dma_start3A_1077, %dma_start3A_1078] : memref<10x64x128xf32, #tpu.memory_space<vmem>> -> memref<1x64x128xf32, #tpu.memory_space<vmem>>
      %dma_start3A_1080 = tpu.memref_squeeze %dma_start3A_1079 : memref<1x64x128xf32, #tpu.memory_space<vmem>> -> memref<64x128xf32, #tpu.memory_space<vmem>>
      %dma_start3A_1081 = arith.constant 0 : i32
      %dma_start3A_1082 = tpu.memref_slice %arg4[%add3A_1075, %dma_start3A_1081] : memref<204800x128xf32, #tpu.memory_space<hbm>> -> memref<64x128xf32, #tpu.memory_space<hbm>>
      %dma_start3A_1083 = arith.constant 0 : i32
      %dma_start3A_1084 = tpu.memref_slice %arg4[%add3A_1075, %dma_start3A_1083] : memref<204800x128xf32, #tpu.memory_space<hbm>> -> memref<64x128xf32, #tpu.memory_space<hbm>>
      %dma_start3A_1085 = arith.constant 0 : i32
      %dma_start3A_1086 = arith.constant 0 : i32
      %dma_start3A_1087 = tpu.memref_slice %arg6[%dma_start3A_1076, %dma_start3A_1085, %dma_start3A_1086] : memref<10x64x128xf32, #tpu.memory_space<vmem>> -> memref<1x64x128xf32, #tpu.memory_space<vmem>>
      %dma_start3A_1088 = tpu.memref_squeeze %dma_start3A_1087 : memref<1x64x128xf32, #tpu.memory_space<vmem>> -> memref<64x128xf32, #tpu.memory_space<vmem>>
      tpu.enqueue_dma source(%dma_start3A_1088 : memref<64x128xf32, #tpu.memory_space<vmem>>) target(%dma_start3A_1084 : memref<64x128xf32, #tpu.memory_space<hbm>>) target_semaphore(%arg21 : memref<!tpu.dma_semaphore, #tpu.memory_space<semaphore_mem>>)
    }
    %scan3A_259 = arith.constant 9 : i32
    %dma_wait3A_260 = arith.constant 0 : i32
    %dma_wait3A_261 = arith.constant 5 : i32
    %dma_wait3A_262 = arith.constant 0 : i32
    %dma_wait3A_263 = arith.constant 0 : i32
    %dma_wait3A_264 = tpu.memref_slice %arg6[%dma_wait3A_261, %dma_wait3A_262, %dma_wait3A_263] : memref<10x64x128xf32, #tpu.memory_space<vmem>> -> memref<1x64x128xf32, #tpu.memory_space<vmem>>
    %dma_wait3A_265 = tpu.memref_squeeze %dma_wait3A_264 : memref<1x64x128xf32, #tpu.memory_space<vmem>> -> memref<64x128xf32, #tpu.memory_space<vmem>>
    %dma_wait3A_266 = arith.constant 0 : i32
    %dma_wait3A_267 = tpu.memref_slice %arg5[%dma_wait3A_260, %dma_wait3A_266] : memref<100x64xi32, #tpu.memory_space<vmem>> -> memref<1x64xi32, #tpu.memory_space<vmem>>
    %dma_wait3A_268 = tpu.memref_squeeze %dma_wait3A_267 : memref<1x64xi32, #tpu.memory_space<vmem>> -> memref<64xi32, #tpu.memory_space<vmem>>
    %dma_wait3A_269 = arith.constant 0 : i32
    %dma_wait3A_270 = arith.constant 0 : i32
    %dma_wait3A_271 = tpu.memref_slice %arg3[%dma_wait3A_269, %dma_wait3A_270] : memref<100000x128xf32, #tpu.memory_space<hbm>> -> memref<100000x128xf32, #tpu.memory_space<hbm>>
    tpu.wait_indirect_dma semaphore(%arg12 : memref<!tpu.dma_semaphore, #tpu.memory_space<semaphore_mem>>) src(%dma_wait3A_271 : memref<100000x128xf32, #tpu.memory_space<hbm>>) dst(%dma_wait3A_265 : memref<64x128xf32, #tpu.memory_space<vmem>>)
    %add3A_272 = arith.constant 6080 : i32
    %add3A_273 = arith.addi %mul3A_2, %add3A_272 : i32
    %dma_start3A_274 = arith.constant 5 : i32
    %dma_start3A_275 = arith.constant 0 : i32
    %dma_start3A_276 = arith.constant 0 : i32
    %dma_start3A_277 = tpu.memref_slice %arg6[%dma_start3A_274, %dma_start3A_275, %dma_start3A_276] : memref<10x64x128xf32, #tpu.memory_space<vmem>> -> memref<1x64x128xf32, #tpu.memory_space<vmem>>
    %dma_start3A_278 = tpu.memref_squeeze %dma_start3A_277 : memref<1x64x128xf32, #tpu.memory_space<vmem>> -> memref<64x128xf32, #tpu.memory_space<vmem>>
    %dma_start3A_279 = arith.constant 0 : i32
    %dma_start3A_280 = tpu.memref_slice %arg4[%add3A_273, %dma_start3A_279] : memref<204800x128xf32, #tpu.memory_space<hbm>> -> memref<64x128xf32, #tpu.memory_space<hbm>>
    %dma_start3A_281 = arith.constant 0 : i32
    %dma_start3A_282 = tpu.memref_slice %arg4[%add3A_273, %dma_start3A_281] : memref<204800x128xf32, #tpu.memory_space<hbm>> -> memref<64x128xf32, #tpu.memory_space<hbm>>
    %dma_start3A_283 = arith.constant 0 : i32
    %dma_start3A_284 = arith.constant 0 : i32
    %dma_start3A_285 = tpu.memref_slice %arg6[%dma_start3A_274, %dma_start3A_283, %dma_start3A_284] : memref<10x64x128xf32, #tpu.memory_space<vmem>> -> memref<1x64x128xf32, #tpu.memory_space<vmem>>
    %dma_start3A_286 = tpu.memref_squeeze %dma_start3A_285 : memref<1x64x128xf32, #tpu.memory_space<vmem>> -> memref<64x128xf32, #tpu.memory_space<vmem>>
    tpu.enqueue_dma source(%dma_start3A_286 : memref<64x128xf32, #tpu.memory_space<vmem>>) target(%dma_start3A_282 : memref<64x128xf32, #tpu.memory_space<hbm>>) target_semaphore(%arg22 : memref<!tpu.dma_semaphore, #tpu.memory_space<semaphore_mem>>)
    %dma_wait3A_287 = arith.constant 0 : i32
    %dma_wait3A_288 = arith.constant 6 : i32
    %dma_wait3A_289 = arith.constant 0 : i32
    %dma_wait3A_290 = arith.constant 0 : i32
    %dma_wait3A_291 = tpu.memref_slice %arg6[%dma_wait3A_288, %dma_wait3A_289, %dma_wait3A_290] : memref<10x64x128xf32, #tpu.memory_space<vmem>> -> memref<1x64x128xf32, #tpu.memory_space<vmem>>
    %dma_wait3A_292 = tpu.memref_squeeze %dma_wait3A_291 : memref<1x64x128xf32, #tpu.memory_space<vmem>> -> memref<64x128xf32, #tpu.memory_space<vmem>>
    %dma_wait3A_293 = arith.constant 0 : i32
    %dma_wait3A_294 = tpu.memref_slice %arg5[%dma_wait3A_287, %dma_wait3A_293] : memref<100x64xi32, #tpu.memory_space<vmem>> -> memref<1x64xi32, #tpu.memory_space<vmem>>
    %dma_wait3A_295 = tpu.memref_squeeze %dma_wait3A_294 : memref<1x64xi32, #tpu.memory_space<vmem>> -> memref<64xi32, #tpu.memory_space<vmem>>
    %dma_wait3A_296 = arith.constant 0 : i32
    %dma_wait3A_297 = arith.constant 0 : i32
    %dma_wait3A_298 = tpu.memref_slice %arg3[%dma_wait3A_296, %dma_wait3A_297] : memref<100000x128xf32, #tpu.memory_space<hbm>> -> memref<100000x128xf32, #tpu.memory_space<hbm>>
    tpu.wait_indirect_dma semaphore(%arg13 : memref<!tpu.dma_semaphore, #tpu.memory_space<semaphore_mem>>) src(%dma_wait3A_298 : memref<100000x128xf32, #tpu.memory_space<hbm>>) dst(%dma_wait3A_292 : memref<64x128xf32, #tpu.memory_space<vmem>>)
    %add3A_299 = arith.constant 6144 : i32
    %add3A_300 = arith.addi %mul3A_2, %add3A_299 : i32
    %dma_start3A_301 = arith.constant 6 : i32
    %dma_start3A_302 = arith.constant 0 : i32
    %dma_start3A_303 = arith.constant 0 : i32
    %dma_start3A_304 = tpu.memref_slice %arg6[%dma_start3A_301, %dma_start3A_302, %dma_start3A_303] : memref<10x64x128xf32, #tpu.memory_space<vmem>> -> memref<1x64x128xf32, #tpu.memory_space<vmem>>
    %dma_start3A_305 = tpu.memref_squeeze %dma_start3A_304 : memref<1x64x128xf32, #tpu.memory_space<vmem>> -> memref<64x128xf32, #tpu.memory_space<vmem>>
    %dma_start3A_306 = arith.constant 0 : i32
    %dma_start3A_307 = tpu.memref_slice %arg4[%add3A_300, %dma_start3A_306] : memref<204800x128xf32, #tpu.memory_space<hbm>> -> memref<64x128xf32, #tpu.memory_space<hbm>>
    %dma_start3A_308 = arith.constant 0 : i32
    %dma_start3A_309 = tpu.memref_slice %arg4[%add3A_300, %dma_start3A_308] : memref<204800x128xf32, #tpu.memory_space<hbm>> -> memref<64x128xf32, #tpu.memory_space<hbm>>
    %dma_start3A_310 = arith.constant 0 : i32
    %dma_start3A_311 = arith.constant 0 : i32
    %dma_start3A_312 = tpu.memref_slice %arg6[%dma_start3A_301, %dma_start3A_310, %dma_start3A_311] : memref<10x64x128xf32, #tpu.memory_space<vmem>> -> memref<1x64x128xf32, #tpu.memory_space<vmem>>
    %dma_start3A_313 = tpu.memref_squeeze %dma_start3A_312 : memref<1x64x128xf32, #tpu.memory_space<vmem>> -> memref<64x128xf32, #tpu.memory_space<vmem>>
    tpu.enqueue_dma source(%dma_start3A_313 : memref<64x128xf32, #tpu.memory_space<vmem>>) target(%dma_start3A_309 : memref<64x128xf32, #tpu.memory_space<hbm>>) target_semaphore(%arg23 : memref<!tpu.dma_semaphore, #tpu.memory_space<semaphore_mem>>)
    %dma_wait3A_314 = arith.constant 0 : i32
    %dma_wait3A_315 = arith.constant 7 : i32
    %dma_wait3A_316 = arith.constant 0 : i32
    %dma_wait3A_317 = arith.constant 0 : i32
    %dma_wait3A_318 = tpu.memref_slice %arg6[%dma_wait3A_315, %dma_wait3A_316, %dma_wait3A_317] : memref<10x64x128xf32, #tpu.memory_space<vmem>> -> memref<1x64x128xf32, #tpu.memory_space<vmem>>
    %dma_wait3A_319 = tpu.memref_squeeze %dma_wait3A_318 : memref<1x64x128xf32, #tpu.memory_space<vmem>> -> memref<64x128xf32, #tpu.memory_space<vmem>>
    %dma_wait3A_320 = arith.constant 0 : i32
    %dma_wait3A_321 = tpu.memref_slice %arg5[%dma_wait3A_314, %dma_wait3A_320] : memref<100x64xi32, #tpu.memory_space<vmem>> -> memref<1x64xi32, #tpu.memory_space<vmem>>
    %dma_wait3A_322 = tpu.memref_squeeze %dma_wait3A_321 : memref<1x64xi32, #tpu.memory_space<vmem>> -> memref<64xi32, #tpu.memory_space<vmem>>
    %dma_wait3A_323 = arith.constant 0 : i32
    %dma_wait3A_324 = arith.constant 0 : i32
    %dma_wait3A_325 = tpu.memref_slice %arg3[%dma_wait3A_323, %dma_wait3A_324] : memref<100000x128xf32, #tpu.memory_space<hbm>> -> memref<100000x128xf32, #tpu.memory_space<hbm>>
    tpu.wait_indirect_dma semaphore(%arg14 : memref<!tpu.dma_semaphore, #tpu.memory_space<semaphore_mem>>) src(%dma_wait3A_325 : memref<100000x128xf32, #tpu.memory_space<hbm>>) dst(%dma_wait3A_319 : memref<64x128xf32, #tpu.memory_space<vmem>>)
    %add3A_326 = arith.constant 6208 : i32
    %add3A_327 = arith.addi %mul3A_2, %add3A_326 : i32
    %dma_start3A_328 = arith.constant 7 : i32
    %dma_start3A_329 = arith.constant 0 : i32
    %dma_start3A_330 = arith.constant 0 : i32
    %dma_start3A_331 = tpu.memref_slice %arg6[%dma_start3A_328, %dma_start3A_329, %dma_start3A_330] : memref<10x64x128xf32, #tpu.memory_space<vmem>> -> memref<1x64x128xf32, #tpu.memory_space<vmem>>
    %dma_start3A_332 = tpu.memref_squeeze %dma_start3A_331 : memref<1x64x128xf32, #tpu.memory_space<vmem>> -> memref<64x128xf32, #tpu.memory_space<vmem>>
    %dma_start3A_333 = arith.constant 0 : i32
    %dma_start3A_334 = tpu.memref_slice %arg4[%add3A_327, %dma_start3A_333] : memref<204800x128xf32, #tpu.memory_space<hbm>> -> memref<64x128xf32, #tpu.memory_space<hbm>>
    %dma_start3A_335 = arith.constant 0 : i32
    %dma_start3A_336 = tpu.memref_slice %arg4[%add3A_327, %dma_start3A_335] : memref<204800x128xf32, #tpu.memory_space<hbm>> -> memref<64x128xf32, #tpu.memory_space<hbm>>
    %dma_start3A_337 = arith.constant 0 : i32
    %dma_start3A_338 = arith.constant 0 : i32
    %dma_start3A_339 = tpu.memref_slice %arg6[%dma_start3A_328, %dma_start3A_337, %dma_start3A_338] : memref<10x64x128xf32, #tpu.memory_space<vmem>> -> memref<1x64x128xf32, #tpu.memory_space<vmem>>
    %dma_start3A_340 = tpu.memref_squeeze %dma_start3A_339 : memref<1x64x128xf32, #tpu.memory_space<vmem>> -> memref<64x128xf32, #tpu.memory_space<vmem>>
    tpu.enqueue_dma source(%dma_start3A_340 : memref<64x128xf32, #tpu.memory_space<vmem>>) target(%dma_start3A_336 : memref<64x128xf32, #tpu.memory_space<hbm>>) target_semaphore(%arg24 : memref<!tpu.dma_semaphore, #tpu.memory_space<semaphore_mem>>)
    %dma_wait3A_341 = arith.constant 0 : i32
    %dma_wait3A_342 = arith.constant 8 : i32
    %dma_wait3A_343 = arith.constant 0 : i32
    %dma_wait3A_344 = arith.constant 0 : i32
    %dma_wait3A_345 = tpu.memref_slice %arg6[%dma_wait3A_342, %dma_wait3A_343, %dma_wait3A_344] : memref<10x64x128xf32, #tpu.memory_space<vmem>> -> memref<1x64x128xf32, #tpu.memory_space<vmem>>
    %dma_wait3A_346 = tpu.memref_squeeze %dma_wait3A_345 : memref<1x64x128xf32, #tpu.memory_space<vmem>> -> memref<64x128xf32, #tpu.memory_space<vmem>>
    %dma_wait3A_347 = arith.constant 0 : i32
    %dma_wait3A_348 = tpu.memref_slice %arg5[%dma_wait3A_341, %dma_wait3A_347] : memref<100x64xi32, #tpu.memory_space<vmem>> -> memref<1x64xi32, #tpu.memory_space<vmem>>
    %dma_wait3A_349 = tpu.memref_squeeze %dma_wait3A_348 : memref<1x64xi32, #tpu.memory_space<vmem>> -> memref<64xi32, #tpu.memory_space<vmem>>
    %dma_wait3A_350 = arith.constant 0 : i32
    %dma_wait3A_351 = arith.constant 0 : i32
    %dma_wait3A_352 = tpu.memref_slice %arg3[%dma_wait3A_350, %dma_wait3A_351] : memref<100000x128xf32, #tpu.memory_space<hbm>> -> memref<100000x128xf32, #tpu.memory_space<hbm>>
    tpu.wait_indirect_dma semaphore(%arg15 : memref<!tpu.dma_semaphore, #tpu.memory_space<semaphore_mem>>) src(%dma_wait3A_352 : memref<100000x128xf32, #tpu.memory_space<hbm>>) dst(%dma_wait3A_346 : memref<64x128xf32, #tpu.memory_space<vmem>>)
    %add3A_353 = arith.constant 6272 : i32
    %add3A_354 = arith.addi %mul3A_2, %add3A_353 : i32
    %dma_start3A_355 = arith.constant 8 : i32
    %dma_start3A_356 = arith.constant 0 : i32
    %dma_start3A_357 = arith.constant 0 : i32
    %dma_start3A_358 = tpu.memref_slice %arg6[%dma_start3A_355, %dma_start3A_356, %dma_start3A_357] : memref<10x64x128xf32, #tpu.memory_space<vmem>> -> memref<1x64x128xf32, #tpu.memory_space<vmem>>
    %dma_start3A_359 = tpu.memref_squeeze %dma_start3A_358 : memref<1x64x128xf32, #tpu.memory_space<vmem>> -> memref<64x128xf32, #tpu.memory_space<vmem>>
    %dma_start3A_360 = arith.constant 0 : i32
    %dma_start3A_361 = tpu.memref_slice %arg4[%add3A_354, %dma_start3A_360] : memref<204800x128xf32, #tpu.memory_space<hbm>> -> memref<64x128xf32, #tpu.memory_space<hbm>>
    %dma_start3A_362 = arith.constant 0 : i32
    %dma_start3A_363 = tpu.memref_slice %arg4[%add3A_354, %dma_start3A_362] : memref<204800x128xf32, #tpu.memory_space<hbm>> -> memref<64x128xf32, #tpu.memory_space<hbm>>
    %dma_start3A_364 = arith.constant 0 : i32
    %dma_start3A_365 = arith.constant 0 : i32
    %dma_start3A_366 = tpu.memref_slice %arg6[%dma_start3A_355, %dma_start3A_364, %dma_start3A_365] : memref<10x64x128xf32, #tpu.memory_space<vmem>> -> memref<1x64x128xf32, #tpu.memory_space<vmem>>
    %dma_start3A_367 = tpu.memref_squeeze %dma_start3A_366 : memref<1x64x128xf32, #tpu.memory_space<vmem>> -> memref<64x128xf32, #tpu.memory_space<vmem>>
    tpu.enqueue_dma source(%dma_start3A_367 : memref<64x128xf32, #tpu.memory_space<vmem>>) target(%dma_start3A_363 : memref<64x128xf32, #tpu.memory_space<hbm>>) target_semaphore(%arg25 : memref<!tpu.dma_semaphore, #tpu.memory_space<semaphore_mem>>)
    %dma_wait3A_368 = arith.constant 0 : i32
    %dma_wait3A_369 = arith.constant 9 : i32
    %dma_wait3A_370 = arith.constant 0 : i32
    %dma_wait3A_371 = arith.constant 0 : i32
    %dma_wait3A_372 = tpu.memref_slice %arg6[%dma_wait3A_369, %dma_wait3A_370, %dma_wait3A_371] : memref<10x64x128xf32, #tpu.memory_space<vmem>> -> memref<1x64x128xf32, #tpu.memory_space<vmem>>
    %dma_wait3A_373 = tpu.memref_squeeze %dma_wait3A_372 : memref<1x64x128xf32, #tpu.memory_space<vmem>> -> memref<64x128xf32, #tpu.memory_space<vmem>>
    %dma_wait3A_374 = arith.constant 0 : i32
    %dma_wait3A_375 = tpu.memref_slice %arg5[%dma_wait3A_368, %dma_wait3A_374] : memref<100x64xi32, #tpu.memory_space<vmem>> -> memref<1x64xi32, #tpu.memory_space<vmem>>
    %dma_wait3A_376 = tpu.memref_squeeze %dma_wait3A_375 : memref<1x64xi32, #tpu.memory_space<vmem>> -> memref<64xi32, #tpu.memory_space<vmem>>
    %dma_wait3A_377 = arith.constant 0 : i32
    %dma_wait3A_378 = arith.constant 0 : i32
    %dma_wait3A_379 = tpu.memref_slice %arg3[%dma_wait3A_377, %dma_wait3A_378] : memref<100000x128xf32, #tpu.memory_space<hbm>> -> memref<100000x128xf32, #tpu.memory_space<hbm>>
    tpu.wait_indirect_dma semaphore(%arg16 : memref<!tpu.dma_semaphore, #tpu.memory_space<semaphore_mem>>) src(%dma_wait3A_379 : memref<100000x128xf32, #tpu.memory_space<hbm>>) dst(%dma_wait3A_373 : memref<64x128xf32, #tpu.memory_space<vmem>>)
    %add3A_380 = arith.constant 6336 : i32
    %add3A_381 = arith.addi %mul3A_2, %add3A_380 : i32
    %dma_start3A_382 = arith.constant 9 : i32
    %dma_start3A_383 = arith.constant 0 : i32
    %dma_start3A_384 = arith.constant 0 : i32
    %dma_start3A_385 = tpu.memref_slice %arg6[%dma_start3A_382, %dma_start3A_383, %dma_start3A_384] : memref<10x64x128xf32, #tpu.memory_space<vmem>> -> memref<1x64x128xf32, #tpu.memory_space<vmem>>
    %dma_start3A_386 = tpu.memref_squeeze %dma_start3A_385 : memref<1x64x128xf32, #tpu.memory_space<vmem>> -> memref<64x128xf32, #tpu.memory_space<vmem>>
    %dma_start3A_387 = arith.constant 0 : i32
    %dma_start3A_388 = tpu.memref_slice %arg4[%add3A_381, %dma_start3A_387] : memref<204800x128xf32, #tpu.memory_space<hbm>> -> memref<64x128xf32, #tpu.memory_space<hbm>>
    %dma_start3A_389 = arith.constant 0 : i32
    %dma_start3A_390 = tpu.memref_slice %arg4[%add3A_381, %dma_start3A_389] : memref<204800x128xf32, #tpu.memory_space<hbm>> -> memref<64x128xf32, #tpu.memory_space<hbm>>
    %dma_start3A_391 = arith.constant 0 : i32
    %dma_start3A_392 = arith.constant 0 : i32
    %dma_start3A_393 = tpu.memref_slice %arg6[%dma_start3A_382, %dma_start3A_391, %dma_start3A_392] : memref<10x64x128xf32, #tpu.memory_space<vmem>> -> memref<1x64x128xf32, #tpu.memory_space<vmem>>
    %dma_start3A_394 = tpu.memref_squeeze %dma_start3A_393 : memref<1x64x128xf32, #tpu.memory_space<vmem>> -> memref<64x128xf32, #tpu.memory_space<vmem>>
    tpu.enqueue_dma source(%dma_start3A_394 : memref<64x128xf32, #tpu.memory_space<vmem>>) target(%dma_start3A_390 : memref<64x128xf32, #tpu.memory_space<hbm>>) target_semaphore(%arg26 : memref<!tpu.dma_semaphore, #tpu.memory_space<semaphore_mem>>)
    %dma_wait3A_395 = arith.constant 0 : i32
    %dma_wait3A_396 = arith.constant 0 : i32
    %dma_wait3A_397 = arith.constant 0 : i32
    %dma_wait3A_398 = tpu.memref_slice %arg6[%dma_wait3A_395, %dma_wait3A_396, %dma_wait3A_397] : memref<10x64x128xf32, #tpu.memory_space<vmem>> -> memref<1x64x128xf32, #tpu.memory_space<vmem>>
    %dma_wait3A_399 = tpu.memref_squeeze %dma_wait3A_398 : memref<1x64x128xf32, #tpu.memory_space<vmem>> -> memref<64x128xf32, #tpu.memory_space<vmem>>
    %dma_wait3A_400 = arith.constant 0 : i32
    %dma_wait3A_401 = tpu.memref_slice %arg4[%mul3A_2, %dma_wait3A_400] : memref<204800x128xf32, #tpu.memory_space<hbm>> -> memref<64x128xf32, #tpu.memory_space<hbm>>
    %dma_wait3A_402 = arith.constant 0 : i32
    %dma_wait3A_403 = tpu.memref_slice %arg4[%mul3A_2, %dma_wait3A_402] : memref<204800x128xf32, #tpu.memory_space<hbm>> -> memref<64x128xf32, #tpu.memory_space<hbm>>
    %dma_wait3A_404 = arith.constant 0 : i32
    %dma_wait3A_405 = arith.constant 0 : i32
    %dma_wait3A_406 = tpu.memref_slice %arg6[%dma_wait3A_395, %dma_wait3A_404, %dma_wait3A_405] : memref<10x64x128xf32, #tpu.memory_space<vmem>> -> memref<1x64x128xf32, #tpu.memory_space<vmem>>
    %dma_wait3A_407 = tpu.memref_squeeze %dma_wait3A_406 : memref<1x64x128xf32, #tpu.memory_space<vmem>> -> memref<64x128xf32, #tpu.memory_space<vmem>>
    tpu.wait_dma2 semaphore(%arg17 : memref<!tpu.dma_semaphore, #tpu.memory_space<semaphore_mem>>) src(%dma_wait3A_407 : memref<64x128xf32, #tpu.memory_space<vmem>>) dst(%dma_wait3A_403 : memref<64x128xf32, #tpu.memory_space<hbm>>)
    %dma_wait3A_408 = arith.constant 1 : i32
    %dma_wait3A_409 = arith.constant 0 : i32
    %dma_wait3A_410 = arith.constant 0 : i32
    %dma_wait3A_411 = tpu.memref_slice %arg6[%dma_wait3A_408, %dma_wait3A_409, %dma_wait3A_410] : memref<10x64x128xf32, #tpu.memory_space<vmem>> -> memref<1x64x128xf32, #tpu.memory_space<vmem>>
    %dma_wait3A_412 = tpu.memref_squeeze %dma_wait3A_411 : memref<1x64x128xf32, #tpu.memory_space<vmem>> -> memref<64x128xf32, #tpu.memory_space<vmem>>
    %dma_wait3A_413 = arith.constant 0 : i32
    %dma_wait3A_414 = tpu.memref_slice %arg4[%mul3A_2, %dma_wait3A_413] : memref<204800x128xf32, #tpu.memory_space<hbm>> -> memref<64x128xf32, #tpu.memory_space<hbm>>
    %dma_wait3A_415 = arith.constant 0 : i32
    %dma_wait3A_416 = tpu.memref_slice %arg4[%mul3A_2, %dma_wait3A_415] : memref<204800x128xf32, #tpu.memory_space<hbm>> -> memref<64x128xf32, #tpu.memory_space<hbm>>
    %dma_wait3A_417 = arith.constant 0 : i32
    %dma_wait3A_418 = arith.constant 0 : i32
    %dma_wait3A_419 = tpu.memref_slice %arg6[%dma_wait3A_408, %dma_wait3A_417, %dma_wait3A_418] : memref<10x64x128xf32, #tpu.memory_space<vmem>> -> memref<1x64x128xf32, #tpu.memory_space<vmem>>
    %dma_wait3A_420 = tpu.memref_squeeze %dma_wait3A_419 : memref<1x64x128xf32, #tpu.memory_space<vmem>> -> memref<64x128xf32, #tpu.memory_space<vmem>>
    tpu.wait_dma2 semaphore(%arg18 : memref<!tpu.dma_semaphore, #tpu.memory_space<semaphore_mem>>) src(%dma_wait3A_420 : memref<64x128xf32, #tpu.memory_space<vmem>>) dst(%dma_wait3A_416 : memref<64x128xf32, #tpu.memory_space<hbm>>)
    %dma_wait3A_421 = arith.constant 2 : i32
    %dma_wait3A_422 = arith.constant 0 : i32
    %dma_wait3A_423 = arith.constant 0 : i32
    %dma_wait3A_424 = tpu.memref_slice %arg6[%dma_wait3A_421, %dma_wait3A_422, %dma_wait3A_423] : memref<10x64x128xf32, #tpu.memory_space<vmem>> -> memref<1x64x128xf32, #tpu.memory_space<vmem>>
    %dma_wait3A_425 = tpu.memref_squeeze %dma_wait3A_424 : memref<1x64x128xf32, #tpu.memory_space<vmem>> -> memref<64x128xf32, #tpu.memory_space<vmem>>
    %dma_wait3A_426 = arith.constant 0 : i32
    %dma_wait3A_427 = tpu.memref_slice %arg4[%mul3A_2, %dma_wait3A_426] : memref<204800x128xf32, #tpu.memory_space<hbm>> -> memref<64x128xf32, #tpu.memory_space<hbm>>
    %dma_wait3A_428 = arith.constant 0 : i32
    %dma_wait3A_429 = tpu.memref_slice %arg4[%mul3A_2, %dma_wait3A_428] : memref<204800x128xf32, #tpu.memory_space<hbm>> -> memref<64x128xf32, #tpu.memory_space<hbm>>
    %dma_wait3A_430 = arith.constant 0 : i32
    %dma_wait3A_431 = arith.constant 0 : i32
    %dma_wait3A_432 = tpu.memref_slice %arg6[%dma_wait3A_421, %dma_wait3A_430, %dma_wait3A_431] : memref<10x64x128xf32, #tpu.memory_space<vmem>> -> memref<1x64x128xf32, #tpu.memory_space<vmem>>
    %dma_wait3A_433 = tpu.memref_squeeze %dma_wait3A_432 : memref<1x64x128xf32, #tpu.memory_space<vmem>> -> memref<64x128xf32, #tpu.memory_space<vmem>>
    tpu.wait_dma2 semaphore(%arg19 : memref<!tpu.dma_semaphore, #tpu.memory_space<semaphore_mem>>) src(%dma_wait3A_433 : memref<64x128xf32, #tpu.memory_space<vmem>>) dst(%dma_wait3A_429 : memref<64x128xf32, #tpu.memory_space<hbm>>)
    %dma_wait3A_434 = arith.constant 3 : i32
    %dma_wait3A_435 = arith.constant 0 : i32
    %dma_wait3A_436 = arith.constant 0 : i32
    %dma_wait3A_437 = tpu.memref_slice %arg6[%dma_wait3A_434, %dma_wait3A_435, %dma_wait3A_436] : memref<10x64x128xf32, #tpu.memory_space<vmem>> -> memref<1x64x128xf32, #tpu.memory_space<vmem>>
    %dma_wait3A_438 = tpu.memref_squeeze %dma_wait3A_437 : memref<1x64x128xf32, #tpu.memory_space<vmem>> -> memref<64x128xf32, #tpu.memory_space<vmem>>
    %dma_wait3A_439 = arith.constant 0 : i32
    %dma_wait3A_440 = tpu.memref_slice %arg4[%mul3A_2, %dma_wait3A_439] : memref<204800x128xf32, #tpu.memory_space<hbm>> -> memref<64x128xf32, #tpu.memory_space<hbm>>
    %dma_wait3A_441 = arith.constant 0 : i32
    %dma_wait3A_442 = tpu.memref_slice %arg4[%mul3A_2, %dma_wait3A_441] : memref<204800x128xf32, #tpu.memory_space<hbm>> -> memref<64x128xf32, #tpu.memory_space<hbm>>
    %dma_wait3A_443 = arith.constant 0 : i32
    %dma_wait3A_444 = arith.constant 0 : i32
    %dma_wait3A_445 = tpu.memref_slice %arg6[%dma_wait3A_434, %dma_wait3A_443, %dma_wait3A_444] : memref<10x64x128xf32, #tpu.memory_space<vmem>> -> memref<1x64x128xf32, #tpu.memory_space<vmem>>
    %dma_wait3A_446 = tpu.memref_squeeze %dma_wait3A_445 : memref<1x64x128xf32, #tpu.memory_space<vmem>> -> memref<64x128xf32, #tpu.memory_space<vmem>>
    tpu.wait_dma2 semaphore(%arg20 : memref<!tpu.dma_semaphore, #tpu.memory_space<semaphore_mem>>) src(%dma_wait3A_446 : memref<64x128xf32, #tpu.memory_space<vmem>>) dst(%dma_wait3A_442 : memref<64x128xf32, #tpu.memory_space<hbm>>)
    %dma_wait3A_447 = arith.constant 4 : i32
    %dma_wait3A_448 = arith.constant 0 : i32
    %dma_wait3A_449 = arith.constant 0 : i32
    %dma_wait3A_450 = tpu.memref_slice %arg6[%dma_wait3A_447, %dma_wait3A_448, %dma_wait3A_449] : memref<10x64x128xf32, #tpu.memory_space<vmem>> -> memref<1x64x128xf32, #tpu.memory_space<vmem>>
    %dma_wait3A_451 = tpu.memref_squeeze %dma_wait3A_450 : memref<1x64x128xf32, #tpu.memory_space<vmem>> -> memref<64x128xf32, #tpu.memory_space<vmem>>
    %dma_wait3A_452 = arith.constant 0 : i32
    %dma_wait3A_453 = tpu.memref_slice %arg4[%mul3A_2, %dma_wait3A_452] : memref<204800x128xf32, #tpu.memory_space<hbm>> -> memref<64x128xf32, #tpu.memory_space<hbm>>
    %dma_wait3A_454 = arith.constant 0 : i32
    %dma_wait3A_455 = tpu.memref_slice %arg4[%mul3A_2, %dma_wait3A_454] : memref<204800x128xf32, #tpu.memory_space<hbm>> -> memref<64x128xf32, #tpu.memory_space<hbm>>
    %dma_wait3A_456 = arith.constant 0 : i32
    %dma_wait3A_457 = arith.constant 0 : i32
    %dma_wait3A_458 = tpu.memref_slice %arg6[%dma_wait3A_447, %dma_wait3A_456, %dma_wait3A_457] : memref<10x64x128xf32, #tpu.memory_space<vmem>> -> memref<1x64x128xf32, #tpu.memory_space<vmem>>
    %dma_wait3A_459 = tpu.memref_squeeze %dma_wait3A_458 : memref<1x64x128xf32, #tpu.memory_space<vmem>> -> memref<64x128xf32, #tpu.memory_space<vmem>>
    tpu.wait_dma2 semaphore(%arg21 : memref<!tpu.dma_semaphore, #tpu.memory_space<semaphore_mem>>) src(%dma_wait3A_459 : memref<64x128xf32, #tpu.memory_space<vmem>>) dst(%dma_wait3A_455 : memref<64x128xf32, #tpu.memory_space<hbm>>)
    %dma_wait3A_460 = arith.constant 5 : i32
    %dma_wait3A_461 = arith.constant 0 : i32
    %dma_wait3A_462 = arith.constant 0 : i32
    %dma_wait3A_463 = tpu.memref_slice %arg6[%dma_wait3A_460, %dma_wait3A_461, %dma_wait3A_462] : memref<10x64x128xf32, #tpu.memory_space<vmem>> -> memref<1x64x128xf32, #tpu.memory_space<vmem>>
    %dma_wait3A_464 = tpu.memref_squeeze %dma_wait3A_463 : memref<1x64x128xf32, #tpu.memory_space<vmem>> -> memref<64x128xf32, #tpu.memory_space<vmem>>
    %dma_wait3A_465 = arith.constant 0 : i32
    %dma_wait3A_466 = tpu.memref_slice %arg4[%mul3A_2, %dma_wait3A_465] : memref<204800x128xf32, #tpu.memory_space<hbm>> -> memref<64x128xf32, #tpu.memory_space<hbm>>
    %dma_wait3A_467 = arith.constant 0 : i32
    %dma_wait3A_468 = tpu.memref_slice %arg4[%mul3A_2, %dma_wait3A_467] : memref<204800x128xf32, #tpu.memory_space<hbm>> -> memref<64x128xf32, #tpu.memory_space<hbm>>
    %dma_wait3A_469 = arith.constant 0 : i32
    %dma_wait3A_470 = arith.constant 0 : i32
    %dma_wait3A_471 = tpu.memref_slice %arg6[%dma_wait3A_460, %dma_wait3A_469, %dma_wait3A_470] : memref<10x64x128xf32, #tpu.memory_space<vmem>> -> memref<1x64x128xf32, #tpu.memory_space<vmem>>
    %dma_wait3A_472 = tpu.memref_squeeze %dma_wait3A_471 : memref<1x64x128xf32, #tpu.memory_space<vmem>> -> memref<64x128xf32, #tpu.memory_space<vmem>>
    tpu.wait_dma2 semaphore(%arg22 : memref<!tpu.dma_semaphore, #tpu.memory_space<semaphore_mem>>) src(%dma_wait3A_472 : memref<64x128xf32, #tpu.memory_space<vmem>>) dst(%dma_wait3A_468 : memref<64x128xf32, #tpu.memory_space<hbm>>)
    %dma_wait3A_473 = arith.constant 6 : i32
    %dma_wait3A_474 = arith.constant 0 : i32
    %dma_wait3A_475 = arith.constant 0 : i32
    %dma_wait3A_476 = tpu.memref_slice %arg6[%dma_wait3A_473, %dma_wait3A_474, %dma_wait3A_475] : memref<10x64x128xf32, #tpu.memory_space<vmem>> -> memref<1x64x128xf32, #tpu.memory_space<vmem>>
    %dma_wait3A_477 = tpu.memref_squeeze %dma_wait3A_476 : memref<1x64x128xf32, #tpu.memory_space<vmem>> -> memref<64x128xf32, #tpu.memory_space<vmem>>
    %dma_wait3A_478 = arith.constant 0 : i32
    %dma_wait3A_479 = tpu.memref_slice %arg4[%mul3A_2, %dma_wait3A_478] : memref<204800x128xf32, #tpu.memory_space<hbm>> -> memref<64x128xf32, #tpu.memory_space<hbm>>
    %dma_wait3A_480 = arith.constant 0 : i32
    %dma_wait3A_481 = tpu.memref_slice %arg4[%mul3A_2, %dma_wait3A_480] : memref<204800x128xf32, #tpu.memory_space<hbm>> -> memref<64x128xf32, #tpu.memory_space<hbm>>
    %dma_wait3A_482 = arith.constant 0 : i32
    %dma_wait3A_483 = arith.constant 0 : i32
    %dma_wait3A_484 = tpu.memref_slice %arg6[%dma_wait3A_473, %dma_wait3A_482, %dma_wait3A_483] : memref<10x64x128xf32, #tpu.memory_space<vmem>> -> memref<1x64x128xf32, #tpu.memory_space<vmem>>
    %dma_wait3A_485 = tpu.memref_squeeze %dma_wait3A_484 : memref<1x64x128xf32, #tpu.memory_space<vmem>> -> memref<64x128xf32, #tpu.memory_space<vmem>>
    tpu.wait_dma2 semaphore(%arg23 : memref<!tpu.dma_semaphore, #tpu.memory_space<semaphore_mem>>) src(%dma_wait3A_485 : memref<64x128xf32, #tpu.memory_space<vmem>>) dst(%dma_wait3A_481 : memref<64x128xf32, #tpu.memory_space<hbm>>)
    %dma_wait3A_486 = arith.constant 7 : i32
    %dma_wait3A_487 = arith.constant 0 : i32
    %dma_wait3A_488 = arith.constant 0 : i32
    %dma_wait3A_489 = tpu.memref_slice %arg6[%dma_wait3A_486, %dma_wait3A_487, %dma_wait3A_488] : memref<10x64x128xf32, #tpu.memory_space<vmem>> -> memref<1x64x128xf32, #tpu.memory_space<vmem>>
    %dma_wait3A_490 = tpu.memref_squeeze %dma_wait3A_489 : memref<1x64x128xf32, #tpu.memory_space<vmem>> -> memref<64x128xf32, #tpu.memory_space<vmem>>
    %dma_wait3A_491 = arith.constant 0 : i32
    %dma_wait3A_492 = tpu.memref_slice %arg4[%mul3A_2, %dma_wait3A_491] : memref<204800x128xf32, #tpu.memory_space<hbm>> -> memref<64x128xf32, #tpu.memory_space<hbm>>
    %dma_wait3A_493 = arith.constant 0 : i32
    %dma_wait3A_494 = tpu.memref_slice %arg4[%mul3A_2, %dma_wait3A_493] : memref<204800x128xf32, #tpu.memory_space<hbm>> -> memref<64x128xf32, #tpu.memory_space<hbm>>
    %dma_wait3A_495 = arith.constant 0 : i32
    %dma_wait3A_496 = arith.constant 0 : i32
    %dma_wait3A_497 = tpu.memref_slice %arg6[%dma_wait3A_486, %dma_wait3A_495, %dma_wait3A_496] : memref<10x64x128xf32, #tpu.memory_space<vmem>> -> memref<1x64x128xf32, #tpu.memory_space<vmem>>
    %dma_wait3A_498 = tpu.memref_squeeze %dma_wait3A_497 : memref<1x64x128xf32, #tpu.memory_space<vmem>> -> memref<64x128xf32, #tpu.memory_space<vmem>>
    tpu.wait_dma2 semaphore(%arg24 : memref<!tpu.dma_semaphore, #tpu.memory_space<semaphore_mem>>) src(%dma_wait3A_498 : memref<64x128xf32, #tpu.memory_space<vmem>>) dst(%dma_wait3A_494 : memref<64x128xf32, #tpu.memory_space<hbm>>)
    %dma_wait3A_499 = arith.constant 8 : i32
    %dma_wait3A_500 = arith.constant 0 : i32
    %dma_wait3A_501 = arith.constant 0 : i32
    %dma_wait3A_502 = tpu.memref_slice %arg6[%dma_wait3A_499, %dma_wait3A_500, %dma_wait3A_501] : memref<10x64x128xf32, #tpu.memory_space<vmem>> -> memref<1x64x128xf32, #tpu.memory_space<vmem>>
    %dma_wait3A_503 = tpu.memref_squeeze %dma_wait3A_502 : memref<1x64x128xf32, #tpu.memory_space<vmem>> -> memref<64x128xf32, #tpu.memory_space<vmem>>
    %dma_wait3A_504 = arith.constant 0 : i32
    %dma_wait3A_505 = tpu.memref_slice %arg4[%mul3A_2, %dma_wait3A_504] : memref<204800x128xf32, #tpu.memory_space<hbm>> -> memref<64x128xf32, #tpu.memory_space<hbm>>
    %dma_wait3A_506 = arith.constant 0 : i32
    %dma_wait3A_507 = tpu.memref_slice %arg4[%mul3A_2, %dma_wait3A_506] : memref<204800x128xf32, #tpu.memory_space<hbm>> -> memref<64x128xf32, #tpu.memory_space<hbm>>
    %dma_wait3A_508 = arith.constant 0 : i32
    %dma_wait3A_509 = arith.constant 0 : i32
    %dma_wait3A_510 = tpu.memref_slice %arg6[%dma_wait3A_499, %dma_wait3A_508, %dma_wait3A_509] : memref<10x64x128xf32, #tpu.memory_space<vmem>> -> memref<1x64x128xf32, #tpu.memory_space<vmem>>
    %dma_wait3A_511 = tpu.memref_squeeze %dma_wait3A_510 : memref<1x64x128xf32, #tpu.memory_space<vmem>> -> memref<64x128xf32, #tpu.memory_space<vmem>>
    tpu.wait_dma2 semaphore(%arg25 : memref<!tpu.dma_semaphore, #tpu.memory_space<semaphore_mem>>) src(%dma_wait3A_511 : memref<64x128xf32, #tpu.memory_space<vmem>>) dst(%dma_wait3A_507 : memref<64x128xf32, #tpu.memory_space<hbm>>)
    %dma_wait3A_512 = arith.constant 9 : i32
    %dma_wait3A_513 = arith.constant 0 : i32
    %dma_wait3A_514 = arith.constant 0 : i32
    %dma_wait3A_515 = tpu.memref_slice %arg6[%dma_wait3A_512, %dma_wait3A_513, %dma_wait3A_514] : memref<10x64x128xf32, #tpu.memory_space<vmem>> -> memref<1x64x128xf32, #tpu.memory_space<vmem>>
    %dma_wait3A_516 = tpu.memref_squeeze %dma_wait3A_515 : memref<1x64x128xf32, #tpu.memory_space<vmem>> -> memref<64x128xf32, #tpu.memory_space<vmem>>
    %dma_wait3A_517 = arith.constant 0 : i32
    %dma_wait3A_518 = tpu.memref_slice %arg4[%mul3A_2, %dma_wait3A_517] : memref<204800x128xf32, #tpu.memory_space<hbm>> -> memref<64x128xf32, #tpu.memory_space<hbm>>
    %dma_wait3A_519 = arith.constant 0 : i32
    %dma_wait3A_520 = tpu.memref_slice %arg4[%mul3A_2, %dma_wait3A_519] : memref<204800x128xf32, #tpu.memory_space<hbm>> -> memref<64x128xf32, #tpu.memory_space<hbm>>
    %dma_wait3A_521 = arith.constant 0 : i32
    %dma_wait3A_522 = arith.constant 0 : i32
    %dma_wait3A_523 = tpu.memref_slice %arg6[%dma_wait3A_512, %dma_wait3A_521, %dma_wait3A_522] : memref<10x64x128xf32, #tpu.memory_space<vmem>> -> memref<1x64x128xf32, #tpu.memory_space<vmem>>
    %dma_wait3A_524 = tpu.memref_squeeze %dma_wait3A_523 : memref<1x64x128xf32, #tpu.memory_space<vmem>> -> memref<64x128xf32, #tpu.memory_space<vmem>>
    tpu.wait_dma2 semaphore(%arg26 : memref<!tpu.dma_semaphore, #tpu.memory_space<semaphore_mem>>) src(%dma_wait3A_524 : memref<64x128xf32, #tpu.memory_space<vmem>>) dst(%dma_wait3A_520 : memref<64x128xf32, #tpu.memory_space<hbm>>)
    return
  }
}

</mosaic_0001>

<sc_bundles>
// kernel: kernel.3.cloned.1.call-start
scs
__scs_entry_jumppad:
0x0: {  	(pc) =	sbr.rel $0x88, $3  }
0x1: {  	(tag) =	ssettag $0x0;
	lr =	simm.s32 $0x1  }
0x2: {  	[smem:$0x3F9F] =	sst lr;
	_ =	strace $0xD0000000  }
0x3: {  	_ = 	snop  }
0x4: {  	_ = 	snop  }
0x5: {  	_ = 	snop  }
0x6: {  	_ = 	snop  }
0x7: {  	_ = 	snop  }
__scs_overlays_trampoline_lowered:
0x8: {  	[smem:$0x3FAE] =	sst s0  }
0x9: {  	[smem:$0x3FAF] =	sst s1  }
0xa: {  	[smem:$0x3FB0] =	sst s2  }
0xb: {  	[smem:$0x3FB1] =	sst s3  }
0xc: {  	[smem:$0x3FB2] =	sst s4  }
0xd: {  	[smem:$0x3FB3] =	sst s5  }
0xe: {  	[smem:$0x3FB4] =	sst s6  }
0xf: {  	[smem:$0x3FB5] =	sst s7  }
0x10: {  	[smem:$0x3FB6] =	sst s8  }
0x11: {  	[smem:$0x3FB7] =	sst s9;
	s0 =	simm.s32 @!p0 $0x0  }
0x12: {  	s1 =	sld [smem:$0x3F9D];
	s0 =	simm.s32 @p0 $0x1  }
0x13: {  	[smem:$0x3FB8] =	sst s0;
	s0 =	simm.s32 @!p1 $0x0  }
0x14: {  	s2 =	sld [smem:$0x3F9C];
	s0 =	simm.s32 @p1 $0x1  }
0x15: {  	[smem:$0x3FB9] =	sst s0;
	s0 =	simm.s32 @!p2 $0x0  }
0x16: {  	s3 =	sld [smem:$0x3FDB];
	s0 =	simm.s32 @p2 $0x1  }
0x17: {  	s4 =	simm.s32 $0x1BF5;
	[smem:$0x3FBB] =	sst s0  }
0x18: {  	s0 =	sld [smem:$0x3F9E];
	_ =	swait.ge [sflag:s4], $0x0  }
0x19: {  	s7 =	sld [smem:$0x3F9F]  }
0x1a: {  	s8 =	sadd.s32 $0xFFFFE003, lr  }
0x1b: {  	s9 =	sadd.s32 $0xFFFFFEF7, lr;
	s5 =	simm.s32 $0xFFFFFFFF;
	p2 =	slt.u32 s8, $0xFFFFF086  }
0x1c: {  	p1 =	slt.u32 s9, $0xF7A;
	s5 =	simm.s32 @!p2 $0x0  }
0x1d: {  	s5 =	simm.s32 @p1 $0x1;
	p0 =	seq.s32 s7, s2  }
0x1e: {  	s7 =	smul.u32 @!p0 $0xF7A, s2;
	p2 =	seq.s32 @!p0 s5, $0x0  }
0x1f: {  	s9 =	smul.u32 $0xF7A, s1;
	s8 =	simm.s32 @!p0 $0x1BF5;
	p2 =	por !p2, p0  }
0x20: {  	[sflag:s8] =	ssyncset.s32 @!p0 $0xFFFFF086;
	s6 =	sadd.s32 @!p0 s3, s7;
	s7 =	simm.s32 @!p0 $0x108  }
0x21: {  	s3 =	sadd.s32 s3, s9;
	s6 =	sadd.s32 @!p0 $0x88, s6;
	s7 =	simm.s32 @p2 $0x1082  }
0x22: {  	[simem:s7], [sflag:s8] =	dma.local @!p0 [hbm:s6], $0xF7A  }
0x23: {  	s9 =	sor.u32 $0xD0000000, s2;
	s6 =	simm.s32 $0x108;
	_ =	swait.ge @!p0 [sflag:s8], $0x0  }
0x24: {  	s3 =	sadd.s32 $0x88, s3;
	s6 =	simm.s32 @!p1 $0x1082;
	[sflag:s4] =	ssyncset.s32 $0xFFFFF086  }
0x25: {  	[simem:s6], [sflag:s4] =	dma.local [hbm:s3], $0xF7A  }
0x26: {  	[smem:$0x3F9F] =	sst s1;
	(tag) =	ssettag s2;
	_ =	strace s9  }
0x27: {  	s1 =	sld [smem:$0x3FAF]  }
0x28: {  	s2 =	sld [smem:$0x3FB0]  }
0x29: {  	s4 =	sld [smem:$0x3FB2]  }
0x2a: {  	p0 =	seq.s32 s5, $0x0;
	s5 =	sld [smem:$0x3FB3]  }
0x2b: {  	s6 =	sld [smem:$0x3FB4]  }
0x2c: {  	s7 =	sld [smem:$0x3FB5]  }
0x2d: {  	s3 =	simm.s32 $0x108;
	s8 =	sld [smem:$0x3FB6]  }
0x2e: {  	s3 =	simm.s32 @!p0 $0x1082;
	s9 =	sld [smem:$0x3FB7]  }
0x2f: {  	lr =	sadd.s32 s0, s3;
	s0 =	sld [smem:$0x3FAE]  }
0x30: {  	s3 =	sld [smem:$0x3FB1]  }
0x31: {  	[smem:$0x3FBA] =	sst s10  }
0x32: {  	s10 =	sld [smem:$0x3FB8];
	_ =	sdelay $0x3  }
0x33: {  	p0 =	seq.s32 s10, $0x1;
	s10 =	sld [smem:$0x3FBA];
	_ =	sdelay $0x3  }
0x34: {  	[smem:$0x3FBA] =	sst s10  }
0x35: {  	s10 =	sld [smem:$0x3FB9];
	_ =	sdelay $0x3  }
0x36: {  	p1 =	seq.s32 s10, $0x1;
	s10 =	sld [smem:$0x3FBA];
	_ =	sdelay $0x3  }
0x37: {  	[smem:$0x3FBA] =	sst s10  }
0x38: {  	s10 =	sld [smem:$0x3FBB]  }
0x39: {  	_ = 	snop;
	(pc) =	sbr.ind lr, $3  }
0x3a: {  	_ = 	snop  }
0x3b: {  	_ = 	snop  }
0x3c: {  	p2 =	seq.s32 s10, $0x1;
	s10 =	sld [smem:$0x3FBA]  }
0x3d: {  	_ =	shalt  }
0x3e: {  	_ =	shalt  }
0x3f: {  	_ =	shalt  }
0x40: {  	_ =	shalt  }
0x41: {  	_ =	shalt  }
0x42: {  	_ =	shalt  }
0x43: {  	_ =	shalt  }
0x44: {  	_ =	shalt  }
0x45: {  	_ =	shalt  }
0x46: {  	_ =	shalt  }
0x47: {  	_ =	shalt  }
0x48: {  	_ =	shalt  }
0x49: {  	_ =	shalt  }
0x4a: {  	_ =	shalt  }
0x4b: {  	_ =	shalt  }
0x4c: {  	_ =	shalt  }
0x4d: {  	_ =	shalt  }
0x4e: {  	_ =	shalt  }
0x4f: {  	_ =	shalt  }
0x50: {  	_ =	shalt  }
0x51: {  	_ =	shalt  }
0x52: {  	_ =	shalt  }
0x53: {  	_ =	shalt  }
0x54: {  	_ =	shalt  }
0x55: {  	_ =	shalt  }
0x56: {  	_ =	shalt  }
0x57: {  	_ =	shalt  }
0x58: {  	_ =	shalt  }
0x59: {  	_ =	shalt  }
0x5a: {  	_ =	shalt  }
0x5b: {  	_ =	shalt  }
0x5c: {  	_ =	shalt  }
0x5d: {  	_ =	shalt  }
0x5e: {  	_ =	shalt  }
0x5f: {  	_ =	shalt  }
0x60: {  	_ =	shalt  }
0x61: {  	_ =	shalt  }
0x62: {  	_ =	shalt  }
0x63: {  	_ =	shalt  }
0x64: {  	_ =	shalt  }
0x65: {  	_ =	shalt  }
0x66: {  	_ =	shalt  }
0x67: {  	_ =	shalt  }
0x68: {  	_ =	shalt  }
0x69: {  	_ =	shalt  }
0x6a: {  	_ =	shalt  }
0x6b: {  	_ =	shalt  }
0x6c: {  	_ =	shalt  }
0x6d: {  	_ =	shalt  }
0x6e: {  	_ =	shalt  }
0x6f: {  	_ =	shalt  }
0x70: {  	_ =	shalt  }
0x71: {  	_ =	shalt  }
0x72: {  	_ =	shalt  }
0x73: {  	_ =	shalt  }
0x74: {  	_ =	shalt  }
0x75: {  	_ =	shalt  }
0x76: {  	_ =	shalt  }
0x77: {  	_ =	shalt  }
0x78: {  	_ =	shalt  }
0x79: {  	_ =	shalt  }
0x7a: {  	_ =	shalt  }
0x7b: {  	_ =	shalt  }
0x7c: {  	_ =	shalt  }
0x7d: {  	_ =	shalt  }
0x7e: {  	_ =	shalt  }
0x7f: {  	_ =	shalt  }
0x80: {  	_ =	shalt  }
0x81: {  	_ =	shalt  }
0x82: {  	_ =	shalt  }
0x83: {  	_ =	shalt  }
0x84: {  	_ =	shalt  }
0x85: {  	_ =	shalt  }
0x86: {  	_ =	shalt  }
0x87: {  	_ =	shalt  }
.Lfunc_end0:
.L_simem_size_0:
called_computation_lowered:
.L_overlay_start_0:
0x88: {  	s2 =	sld [smem:$0x3FD9]  }
0x89: {  	s3 =	sld [smem:$0x3FFE];
	_ =	sdelay $0x1  }
0x8a: {  	s1 =	srdreg.scid  }
0x8b: {  	s0 =	sand.u32 $0x1, s1  }
0x8c: {  	s17 =	sshll.u32 s0, $0xA;
	s2 =	sadd.s32 s3, s2  }
0x8d: {  	s2 =	sadd.s32 s2, s17  }
0x8e: {  	[smem:$0x3FC6] =	sst s2  }
0x8f: {  	_ = 	snop  }
0x90: {  	s2 =	sld [smem:$0x3FC8]  }
0x91: {  	s18 =	sld [smem:$0x3FD0];
	(tm) =	ssettm $0x1  }
0x92: {  	s4 =	sld [smem:$0x3FFB];
	_ =	sdelay $0x3  }
0x93: {  	_ =	strace s4  }
0x94: {  	s4 =	sld [smem:$0x3FFC];
	_ =	sdelay $0x3  }
0x95: {  	_ =	strace s4  }
0x96: {  	s4 =	sld [smem:$0x3FFD];
	_ =	sdelay $0x3  }
0x97: {  	_ =	strace s4  }
0x98: {  	_ =	strace $0x8FFFFFFF  }
0x99: {  	s19 =	sld [smem:$0x3FDB];
	_ =	sdelay $0x1  }
0x9a: {  	s5 =	simm.s32 $_scs_section_size  }
0x9b: {  	s6 =	simm.s32 $_size__tile_overlayer_lowered;
	s7 =	simm.s32 $_tile_overlayer_lowered  }
0x9c: {  	s22 =	simm.s32 $0x1BFF;
	s21 =	sshll.u32 s7, $0x1;
	s4 =	sadd.s32 s5, s19  }
0x9d: {  	s8 =	simm.s32 $0x0;
	s20 =	sshll.u32 s6, $0x1;
	s6 =	sadd.s32 s21, s4  }
0x9e: {  	[timem:s8], [sflag:s22] =	dma.local [hbm:s6], s20  }
0x9f: {  	_ =	swait.ge [sflag:s22], s20  }
0xa0: {  	s5 =	ssub.s32 $0x0, s20;
	[sflag:s22] =	ssyncset.done $0x0  }
0xa1: {  	[sflag:s22] =	ssyncadd.s32 s5;
	_ =	sdelay $0x1  }
0xa2: {  	s23 =	simm.s32 $0x1B8B  }
0xa3: {  	_ =	swait.ge [sflag:s23], $0x1  }
0xa4: {  	[sflag:s23] =	ssyncset.done $0x0  }
0xa5: {  	s25 =	simm.s32 $0x1B8E;
	s24 =	sld [smem:$0x3FFE];
	[sflag:s23] =	ssyncadd.s32 $0xFFFFFFFF  }
0xa6: {  	s26 =	simm.s32 $execute0_lowered;
	[smem:$0x3FD2] =	sst s25  }
0xa7: {  	s6 =	sshll.u32 s26, $0x1;
	_ =	strace $0x80000046;
	[dreg:$0x1] =	wrdreg $0xFFFFFFFF  }
0xa8: {  	s28 =	simm.s32 $_size_execute0_lowered;
	s4 =	sadd.s32 s4, s6;
	[dreg:$0x0] =	wrdreg $0x0  }
0xa9: {  	s6 =	sshll.u32 s28, $0x1;
	[dreg:$0x2] =	wrdreg s4  }
0xaa: {  	[dreg:$0x3] =	wrdreg s6  }
0xab: {  	[dreg:$0x4] =	wrdreg $0xC0  }
0xac: {  	_ =	task [dreg:s8], $0x5FFFF  }
0xad: {  	[dreg:$0x1] =	wrdreg $0xFFFFFFFF  }
0xae: {  	[dreg:$0x0] =	wrdreg $0x60  }
0xaf: {  	[dreg:$0x2] =	wrdreg s24  }
0xb0: {  	[dreg:$0x3] =	wrdreg s2  }
0xb1: {  	[dreg:$0x4] =	wrdreg s18  }
0xb2: {  	[dreg:$0x5] =	wrdreg $0x9  }
0xb3: {  	_ =	task.clear_ibuf [dreg:s8], $0x6FFFF;
	_ =	strace $0x90000046  }
0xb4: {  	s29 =	simm.s32 $0x9;
	_ =	strace $0x80000048  }
0xb5: {  	_ =	swait.ge [sflag:s29], $0x1  }
0xb6: {  	[sflag:s29] =	ssyncadd.s32 $0xFFFFFFFF  }
0xb7: {  	_ =	strace $0x90000048  }
0xb8: {  	_ =	sfence  }
0xb9: {  	s30 =	sld [smem:$0x0];
	_ =	sdelay $0x2  }
0xba: {  	s31 =	sshll.u32 s1, $0xD;
	s1 =	sshrl.u32 s1, $0x2  }
0xbb: {  	s3 =	sand.u32 $0x4000, s31;
	s1 =	sadd.s32 s1, s30  }
0xbc: {  	s0 =	sor.u32 s3, s0;
	s1 =	sshll.u32 s1, $0x11  }
0xbd: {  	s0 =	sor.u32 s1, s0  }
0xbe: {  	s0 =	sadd.s32 $0x8F2B, s0  }
0xbf: {  	[sflag:s0] =	ssyncadd.remote.s32 $0x1  }
0xc0: {  	_ =	sfence.sel $0xFFFF  }
0xc1: {  	[dreg:$0x0] =	wrdreg $0xFFFFFFFF;
	(pc) =	sbr.abs _section_cstart, $3  }
0xc2: {  	[dreg:$0x1] =	wrdreg $0xFFFFFFFF  }
0xc3: {  	_ =	task.clear_ibuf [dreg:s8], $0x2FFFF;
	_ =	strace $0x9FFFFFFF  }
0xc4: {  	(tm) =	ssettm $0x7FFFFFFF  }
0xc5: {  	_ =	shalt  }
tec
execute0_lowered:
.L_overlay_start_1:
0x0: {  	(tag) =	ssettag $0x1  }
0x1: {  	s0 =	rddreg [dreg:$0x0];
	s8 =	stileid.u32  }
0x2: {  	s1 =	srdreg.scid;
	s11 =	smul.u32 $0x32000, s8  }
0x3: {  	s1 =	sand.u32 $0x1, s1;
	s3 =	sshll.u32 s8, $0x1;
	s13 =	smul.u32 $0x190000, s8  }
0x4: {  	s2 =	rddreg [dreg:$0x1];
	s3 =	sor.u32 s1, s3;
	s14 =	smul.u32 $0xC8000, s1  }
0x5: {  	s28 =	rddreg [dreg:$0x2];
	s4 =	simm.s32 $0x0;
	s5 =	smul.u32 $0x680, s3  }
0x6: {  	[smem:$0x7FF] =	sst s4;
	s7 =	smul.u32 $0x19000, s3  }
0x7: {  	s6 =	ssub.s32 $0x2, s1;
	_ =	strace $0x80000047;
	s3 =	smul.u32 $0xC8000, s3  }
0x8: {  	s1 =	smul.u32 $0x19000, s1;
	s9 =	sshrl.u32 s6, $0x1;
	s0 =	sadd.s32 s5, s0  }
0x9: {  	s5 =	ssub.s32 s6, s9;
	s7 =	sadd.s32 s28, s7;
	s3 =	sshrl.u32 s3, $0x3  }
0xa: {  	s6 =	sadd.s32 s14, s13;
	s0 =	sadd.s32 $0x400, s0;
	[dreg:$0x9] =	wrdreg s7  }
0xb: {  	s9 =	simm.s32 $0x1;
	s10 =	sadd.s32 $0x400, s7;
	[dreg:$0xa] =	wrdreg s0  }
0xc: {  	s14 =	simm.s32 $0x5;
	s12 =	sadd.s32 $0x800, s7;
	[dreg:$0xb] =	wrdreg s10  }
0xd: {  	s7 =	sadd.s32 $0xC00, s7;
	s3 =	sadd.s32 s28, s3;
	[dreg:$0xc] =	wrdreg s12  }
0xe: {  	s20 =	sadd.s32 $0x1C000, s6;
	s30 =	smax.u32 s5, $0x1;
	[dreg:$0xd] =	wrdreg s7  }
0xf: {  	s22 =	sadd.s32 $0x1A000, s6;
	s31 =	sadd.s32 $0x14000, s6;
	[dreg:$0x14] =	wrdreg s30  }
0x10: {  	s24 =	sadd.s32 $0x18000, s6;
	s15 =	sadd.s32 $0x1000, s3;
	[dreg:$0x15] =	wrdreg s31  }
0x11: {  	s26 =	sadd.s32 $0x16000, s6;
	s16 =	sadd.s32 $0x17C00, s3;
	[dreg:$0xe] =	wrdreg s15  }
0x12: {  	s6 =	simm.s32 $0x3400;
	s17 =	sadd.s32 $0x18000, s3;
	[dreg:$0xf] =	wrdreg s16  }
0x13: {  	s5 =	simm.s32 $0xA;
	s18 =	sadd.s32 $0x18400, s3;
	[dreg:$0x10] =	wrdreg s17  }
0x14: {  	s19 =	sadd.s32 $0x18800, s3;
	s0 =	sadd.s32 s1, s11;
	[dreg:$0x11] =	wrdreg s18  }
0x15: {  	s21 =	sshrl.u32 s20, $0x3;
	s23 =	sshrl.u32 s22, $0x3;
	[dreg:$0x12] =	wrdreg s19  }
0x16: {  	s25 =	sshrl.u32 s24, $0x3;
	s3 =	sadd.s32 $0x18C00, s3;
	[dreg:$0x4] =	wrdreg s0  }
0x17: {  	s29 =	sshrl.u32 s26, $0x3;
	s1 =	simm.s32 $0x5400;
	[dreg:$0x5] =	wrdreg s21  }
0x18: {  	s26 =	simm.s32 $0x9400;
	s10 =	simm.s32 $0x2;
	[dreg:$0x6] =	wrdreg s23  }
0x19: {  	s11 =	simm.s32 $0x3;
	s12 =	simm.s32 $0x4;
	[dreg:$0x13] =	wrdreg s3  }
0x1a: {  	s20 =	simm.s32 $0x13;
	s22 =	simm.s32 $0x14;
	[dreg:$0x7] =	wrdreg s25  }
0x1b: {  	[dreg:$0x8] =	wrdreg s29;
	s19 =	simm.s32 $0x40;
	s23 =	simm.s32 $0x7400  }
0x1c: {  	s15 =	simm.s32 $0x9;
	s16 =	simm.s32 $0xF;
	s18 =	simm.s32 $0x10  }
0x1d: {  	s17 =	simm.s32 $0x11;
	s3 =	simm.s32 $0x12;
	s0 =	simm.s32 $0x0  }
.LBB2_1:
0x1e: {  	[dreg:$0x16] =	wrdreg s0  }
0x1f: {  	s21 =	rddreg [dreg:$0xa];
	s25 =	simm.s32 $0x15  }
0x20: {  	[tilespmem:s4], [sflag:$0x15] =	stream.linear.gather [hbm4b:s21+s4], $0x3200, $0x38;
	[tilespmem:$0x17400] =	vst v63  }
0x21: {  	_ =	swait.ge [sflag:s25], $0x3200  }
0x22: {  	[sflag:s25] =	ssyncset.done $0x0  }
0x23: {  	[sflag:s25] =	ssyncadd.s32 $0xFFFFCE00  }
0x24: {  	[tilespmem:s6], [sflag:$0x1] =	stream.indirect.gather [hbm4b:s2+s19], $0x80, s4, s19, $0xb8;
	[tilespmem:$0x17400] =	vst v63  }
0x25: {  	s31 =	simm.s32 $0x80  }
0x26: {  	[tilespmem:s1], [sflag:$0x2] =	stream.indirect.gather [hbm4b:s2+s19], $0x80, s31, s19, $0xb8;
	[tilespmem:$0x17400] =	vst v63  }
0x27: {  	s0 =	simm.s32 $0x100  }
0x28: {  	[tilespmem:s23], [sflag:$0x3] =	stream.indirect.gather [hbm4b:s2+s19], $0x80, s0, s19, $0xb8;
	[tilespmem:$0x17400] =	vst v63  }
0x29: {  	s7 =	simm.s32 $0x180  }
0x2a: {  	[tilespmem:s26], [sflag:$0x4] =	stream.indirect.gather [hbm4b:s2+s19], $0x80, s7, s19, $0xb8;
	[tilespmem:$0x17400] =	vst v63  }
0x2b: {  	s8 =	simm.s32 $0x200;
	s0 =	simm.s32 $0xB400  }
0x2c: {  	[tilespmem:s0], [sflag:$0x5] =	stream.indirect.gather [hbm4b:s2+s19], $0x80, s8, s19, $0xb8;
	[tilespmem:$0x17400] =	vst v63  }
0x2d: {  	s7 =	simm.s32 $0x280;
	s8 =	simm.s32 $0xD400  }
0x2e: {  	[tilespmem:s8], [sflag:$0x6] =	stream.indirect.gather [hbm4b:s2+s19], $0x80, s7, s19, $0xb8;
	[tilespmem:$0x17400] =	vst v63  }
0x2f: {  	_ =	swait.ge [sflag:s9], $0x2000  }
0x30: {  	[sflag:s9] =	ssyncset.done $0x0  }
0x31: {  	s13 =	rddreg [dreg:$0x9];
	[sflag:s9] =	ssyncadd.s32 $0xFFFFE000  }
0x32: {  	[hbm4b:s13+s4] =	stream.linear.scatter [tilespmem:s6], [sflag:$0xB], $0x2000, $0x38;
	[tilespmem:$0x17400] =	vst v63  }
0x33: {  	s24 =	simm.s32 $0x300;
	s29 =	simm.s32 $0xF400  }
0x34: {  	[tilespmem:s29], [sflag:$0x7] =	stream.indirect.gather [hbm4b:s2+s19], $0x80, s24, s19, $0xb8;
	[tilespmem:$0x17400] =	vst v63  }
0x35: {  	_ =	swait.ge [sflag:s10], $0x2000  }
0x36: {  	[sflag:s10] =	ssyncset.done $0x0  }
0x37: {  	s25 =	rddreg [dreg:$0xb];
	[sflag:s10] =	ssyncadd.s32 $0xFFFFE000  }
0x38: {  	[hbm4b:s25+s4] =	stream.linear.scatter [tilespmem:s1], [sflag:$0xC], $0x2000, $0x38;
	[tilespmem:$0x17400] =	vst v63  }
0x39: {  	s30 =	simm.s32 $0x11400;
	s31 =	simm.s32 $0x380  }
0x3a: {  	[tilespmem:s30], [sflag:$0x8] =	stream.indirect.gather [hbm4b:s2+s19], $0x80, s31, s19, $0xb8;
	[tilespmem:$0x17400] =	vst v63  }
0x3b: {  	_ =	swait.ge [sflag:s11], $0x2000  }
0x3c: {  	[sflag:s11] =	ssyncset.done $0x0  }
0x3d: {  	s13 =	rddreg [dreg:$0xc];
	[sflag:s11] =	ssyncadd.s32 $0xFFFFE000  }
0x3e: {  	[hbm4b:s13+s4] =	stream.linear.scatter [tilespmem:s23], [sflag:$0xD], $0x2000, $0x38;
	[tilespmem:$0x17400] =	vst v63  }
0x3f: {  	s21 =	simm.s32 $0x400;
	s31 =	simm.s32 $0x13400  }
0x40: {  	[tilespmem:s31], [sflag:$0x9] =	stream.indirect.gather [hbm4b:s2+s19], $0x80, s21, s19, $0xb8;
	[tilespmem:$0x17400] =	vst v63  }
0x41: {  	_ =	swait.ge [sflag:s12], $0x2000  }
0x42: {  	[sflag:s12] =	ssyncset.done $0x0  }
0x43: {  	s24 =	rddreg [dreg:$0xd];
	[sflag:s12] =	ssyncadd.s32 $0xFFFFE000  }
0x44: {  	[hbm4b:s24+s4] =	stream.linear.scatter [tilespmem:s26], [sflag:$0xE], $0x2000, $0x38;
	[tilespmem:$0x17400] =	vst v63  }
0x45: {  	s25 =	simm.s32 $0x480;
	s13 =	simm.s32 $0x15400  }
0x46: {  	[tilespmem:s13], [sflag:$0xA] =	stream.indirect.gather [hbm4b:s2+s19], $0x80, s25, s19, $0xb8;
	[tilespmem:$0x17400] =	vst v63  }
0x47: {  	_ =	swait.ge [sflag:s14], $0x2000  }
0x48: {  	[sflag:s14] =	ssyncset.done $0x0  }
0x49: {  	s21 =	simm.s32 $0xB;
	s7 =	rddreg [dreg:$0xe];
	[sflag:s14] =	ssyncadd.s32 $0xFFFFE000  }
0x4a: {  	[hbm4b:s7+s4] =	stream.linear.scatter [tilespmem:s0], [sflag:$0xF], $0x2000, $0x38;
	[tilespmem:$0x17400] =	vst v63  }
0x4b: {  	_ =	swait.ge [sflag:s21], $0x2000  }
0x4c: {  	[sflag:s21] =	ssyncset.done $0x0  }
0x4d: {  	s24 =	simm.s32 $0x500;
	s25 =	simm.s32 $0x6;
	[sflag:s21] =	ssyncadd.s32 $0xFFFFE000  }
0x4e: {  	[tilespmem:s6], [sflag:$0x1] =	stream.indirect.gather [hbm4b:s2+s19], $0x80, s24, s19, $0xb8;
	[tilespmem:$0x17400] =	vst v63  }
0x4f: {  	_ =	swait.ge [sflag:s25], $0x2000  }
0x50: {  	s24 =	rddreg [dreg:$0x4]  }
0x51: {  	[sflag:s25] =	ssyncset.done $0x0;
	s21 =	sadd.s32 s28, s24  }
0x52: {  	[sflag:s25] =	ssyncadd.s32 $0xFFFFE000;
	s25 =	simm.s32 $0xC;
	s24 =	sadd.s32 $0x1400, s21  }
0x53: {  	[hbm4b:s24+s4] =	stream.linear.scatter [tilespmem:s8], [sflag:$0x10], $0x2000, $0x38;
	[tilespmem:$0x17400] =	vst v63  }
0x54: {  	_ =	swait.ge [sflag:s25], $0x2000  }
0x55: {  	[sflag:s25] =	ssyncset.done $0x0  }
0x56: {  	s7 =	simm.s32 $0x580;
	[sflag:s25] =	ssyncadd.s32 $0xFFFFE000;
	s25 =	simm.s32 $0x7  }
0x57: {  	[tilespmem:s1], [sflag:$0x2] =	stream.indirect.gather [hbm4b:s2+s19], $0x80, s7, s19, $0xb8;
	[tilespmem:$0x17400] =	vst v63  }
0x58: {  	_ =	swait.ge [sflag:s25], $0x2000  }
0x59: {  	[sflag:s25] =	ssyncset.done $0x0  }
0x5a: {  	s7 =	sadd.s32 $0x1800, s21;
	[sflag:s25] =	ssyncadd.s32 $0xFFFFE000;
	s25 =	simm.s32 $0xD  }
0x5b: {  	[hbm4b:s7+s4] =	stream.linear.scatter [tilespmem:s29], [sflag:$0x11], $0x2000, $0x38;
	[tilespmem:$0x17400] =	vst v63  }
0x5c: {  	_ =	swait.ge [sflag:s25], $0x2000  }
0x5d: {  	[sflag:s25] =	ssyncset.done $0x0  }
0x5e: {  	s7 =	simm.s32 $0x600;
	[sflag:s25] =	ssyncadd.s32 $0xFFFFE000;
	s25 =	simm.s32 $0x8  }
0x5f: {  	[tilespmem:s23], [sflag:$0x3] =	stream.indirect.gather [hbm4b:s2+s19], $0x80, s7, s19, $0xb8;
	[tilespmem:$0x17400] =	vst v63  }
0x60: {  	_ =	swait.ge [sflag:s25], $0x2000  }
0x61: {  	[sflag:s25] =	ssyncset.done $0x0  }
0x62: {  	s7 =	sadd.s32 $0x1C00, s21;
	[sflag:s25] =	ssyncadd.s32 $0xFFFFE000;
	s25 =	simm.s32 $0xE  }
0x63: {  	[hbm4b:s7+s4] =	stream.linear.scatter [tilespmem:s30], [sflag:$0x12], $0x2000, $0x38;
	[tilespmem:$0x17400] =	vst v63  }
0x64: {  	_ =	swait.ge [sflag:s25], $0x2000  }
0x65: {  	[sflag:s25] =	ssyncset.done $0x0  }
0x66: {  	s7 =	simm.s32 $0x680;
	[sflag:s25] =	ssyncadd.s32 $0xFFFFE000  }
0x67: {  	[tilespmem:s26], [sflag:$0x4] =	stream.indirect.gather [hbm4b:s2+s19], $0x80, s7, s19, $0xb8;
	[tilespmem:$0x17400] =	vst v63  }
0x68: {  	_ =	swait.ge [sflag:s15], $0x2000  }
0x69: {  	[sflag:s15] =	ssyncset.done $0x0  }
0x6a: {  	s25 =	sadd.s32 $0x2000, s21;
	[sflag:s15] =	ssyncadd.s32 $0xFFFFE000  }
0x6b: {  	[hbm4b:s25+s4] =	stream.linear.scatter [tilespmem:s31], [sflag:$0x13], $0x2000, $0x38;
	[tilespmem:$0x17400] =	vst v63  }
0x6c: {  	_ =	swait.ge [sflag:s16], $0x2000  }
0x6d: {  	[sflag:s16] =	ssyncset.done $0x0  }
0x6e: {  	s7 =	simm.s32 $0x700;
	[sflag:s16] =	ssyncadd.s32 $0xFFFFE000  }
0x6f: {  	[tilespmem:s0], [sflag:$0x5] =	stream.indirect.gather [hbm4b:s2+s19], $0x80, s7, s19, $0xb8;
	[tilespmem:$0x17400] =	vst v63  }
0x70: {  	_ =	swait.ge [sflag:s5], $0x2000  }
0x71: {  	[sflag:s5] =	ssyncset.done $0x0  }
0x72: {  	s21 =	sadd.s32 $0x2400, s21;
	[sflag:s5] =	ssyncadd.s32 $0xFFFFE000  }
0x73: {  	[hbm4b:s21+s4] =	stream.linear.scatter [tilespmem:s13], [sflag:$0x14], $0x2000, $0x38;
	[tilespmem:$0x17400] =	vst v63  }
0x74: {  	_ =	swait.ge [sflag:s18], $0x2000  }
0x75: {  	[sflag:s18] =	ssyncset.done $0x0  }
0x76: {  	s25 =	simm.s32 $0x780;
	[sflag:s18] =	ssyncadd.s32 $0xFFFFE000  }
0x77: {  	[tilespmem:s8], [sflag:$0x6] =	stream.indirect.gather [hbm4b:s2+s19], $0x80, s25, s19, $0xb8;
	[tilespmem:$0x17400] =	vst v63  }
0x78: {  	_ =	swait.ge [sflag:s9], $0x2000  }
0x79: {  	s25 =	rddreg [dreg:$0x15]  }
0x7a: {  	[sflag:s9] =	ssyncset.done $0x0;
	s0 =	sshrl.u32 s25, $0x3  }
0x7b: {  	[sflag:s9] =	ssyncadd.s32 $0xFFFFE000;
	s21 =	sadd.s32 s28, s0  }
0x7c: {  	[hbm4b:s21+s4] =	stream.linear.scatter [tilespmem:s6], [sflag:$0xB], $0x2000, $0x38;
	[tilespmem:$0x17400] =	vst v63  }
0x7d: {  	_ =	swait.ge [sflag:s17], $0x2000  }
0x7e: {  	[sflag:s17] =	ssyncset.done $0x0  }
0x7f: {  	s7 =	simm.s32 $0x800;
	[sflag:s17] =	ssyncadd.s32 $0xFFFFE000  }
0x80: {  	[tilespmem:s29], [sflag:$0x7] =	stream.indirect.gather [hbm4b:s2+s19], $0x80, s7, s19, $0xb8;
	[tilespmem:$0x17400] =	vst v63  }
0x81: {  	_ =	swait.ge [sflag:s10], $0x2000  }
0x82: {  	s8 =	rddreg [dreg:$0x8];
	[sflag:s10] =	ssyncset.done $0x0  }
0x83: {  	[sflag:s10] =	ssyncadd.s32 $0xFFFFE000;
	s21 =	sadd.s32 s28, s8  }
0x84: {  	[hbm4b:s21+s4] =	stream.linear.scatter [tilespmem:s1], [sflag:$0xC], $0x2000, $0x38;
	[tilespmem:$0x17400] =	vst v63  }
0x85: {  	_ =	swait.ge [sflag:s3], $0x2000  }
0x86: {  	[sflag:s3] =	ssyncset.done $0x0  }
0x87: {  	s9 =	simm.s32 $0x880;
	[sflag:s3] =	ssyncadd.s32 $0xFFFFE000  }
0x88: {  	[tilespmem:s30], [sflag:$0x8] =	stream.indirect.gather [hbm4b:s2+s19], $0x80, s9, s19, $0xb8;
	[tilespmem:$0x17400] =	vst v63  }
0x89: {  	_ =	swait.ge [sflag:s11], $0x2000  }
0x8a: {  	s10 =	rddreg [dreg:$0x7];
	[sflag:s11] =	ssyncset.done $0x0  }
0x8b: {  	[sflag:s11] =	ssyncadd.s32 $0xFFFFE000;
	s21 =	sadd.s32 s28, s10  }
0x8c: {  	[hbm4b:s21+s4] =	stream.linear.scatter [tilespmem:s23], [sflag:$0xD], $0x2000, $0x38;
	[tilespmem:$0x17400] =	vst v63  }
0x8d: {  	_ =	swait.ge [sflag:s20], $0x2000  }
0x8e: {  	[sflag:s20] =	ssyncset.done $0x0  }
0x8f: {  	s23 =	simm.s32 $0x900;
	[sflag:s20] =	ssyncadd.s32 $0xFFFFE000  }
0x90: {  	[tilespmem:s31], [sflag:$0x9] =	stream.indirect.gather [hbm4b:s2+s19], $0x80, s23, s19, $0xb8;
	[tilespmem:$0x17400] =	vst v63  }
0x91: {  	_ =	swait.ge [sflag:s12], $0x2000  }
0x92: {  	s24 =	rddreg [dreg:$0x6];
	[sflag:s12] =	ssyncset.done $0x0  }
0x93: {  	[sflag:s12] =	ssyncadd.s32 $0xFFFFE000;
	s21 =	sadd.s32 s28, s24  }
0x94: {  	[hbm4b:s21+s4] =	stream.linear.scatter [tilespmem:s26], [sflag:$0xE], $0x2000, $0x38;
	[tilespmem:$0x17400] =	vst v63  }
0x95: {  	s6 =	simm.s32 $0x3400;
	_ =	swait.ge [sflag:s22], $0x2000  }
0x96: {  	s29 =	sadd.s32 $0x14000, s25;
	s1 =	simm.s32 $0x5400;
	[sflag:s22] =	ssyncset.done $0x0  }
0x97: {  	s30 =	simm.s32 $0x9400;
	s26 =	simm.s32 $0x980;
	[sflag:s22] =	ssyncadd.s32 $0xFFFFE000  }
0x98: {  	[tilespmem:s13], [sflag:$0xA] =	stream.indirect.gather [hbm4b:s2+s19], $0x80, s26, s19, $0xb8;
	[tilespmem:$0x17400] =	vst v63  }
0x99: {  	s9 =	simm.s32 $0x1;
	s23 =	simm.s32 $0x7400;
	_ =	swait.ge [sflag:s14], $0x2000  }
0x9a: {  	s24 =	simm.s32 $0x1400;
	s31 =	rddreg [dreg:$0x5];
	[sflag:s14] =	ssyncset.done $0x0  }
0x9b: {  	s26 =	sadd.s32 $0x2800, s28;
	[sflag:s14] =	ssyncadd.s32 $0xFFFFE000;
	s21 =	sadd.s32 s28, s31  }
.LBB2_2:
0x9c: {  	s7 =	simm.s32 $0xB400;
	s0 =	simm.s32 $0xB  }
0x9d: {  	[hbm4b:s21+s4] =	stream.linear.scatter [tilespmem:s7], [sflag:$0xF], $0x2000, $0x38;
	[tilespmem:$0x17400] =	vst v63  }
0x9e: {  	s8 =	smov.u32 s24;
	_ =	swait.ge [sflag:s0], $0x2000  }
0x9f: {  	s31 =	sshra.s32 s8, $0x2;
	[sflag:s0] =	ssyncset.done $0x0  }
0xa0: {  	s10 =	simm.s32 $0x6;
	s21 =	sadd.s32 $0x500, s31;
	[sflag:s0] =	ssyncadd.s32 $0xFFFFE000  }
0xa1: {  	[tilespmem:s6], [sflag:$0x1] =	stream.indirect.gather [hbm4b:s2+s19], $0x80, s21, s19, $0xb8;
	[tilespmem:$0x17400] =	vst v63  }
0xa2: {  	_ =	swait.ge [sflag:s10], $0x2000  }
0xa3: {  	s25 =	smov.u32 s28;
	s11 =	rddreg [dreg:$0x4]  }
0xa4: {  	s12 =	simm.s32 $0xC;
	[sflag:s10] =	ssyncset.done $0x0;
	s21 =	sadd.s32 s26, s11  }
0xa5: {  	s8 =	simm.s32 $0xD400;
	[sflag:s10] =	ssyncadd.s32 $0xFFFFE000;
	s28 =	sadd.s32 $0x1400, s21  }
0xa6: {  	[hbm4b:s28+s4] =	stream.linear.scatter [tilespmem:s8], [sflag:$0x10], $0x2000, $0x38;
	[tilespmem:$0x17400] =	vst v63  }
0xa7: {  	_ =	swait.ge [sflag:s12], $0x2000  }
0xa8: {  	[sflag:s12] =	ssyncset.done $0x0  }
0xa9: {  	s13 =	simm.s32 $0x7;
	s28 =	sadd.s32 $0x580, s31;
	[sflag:s12] =	ssyncadd.s32 $0xFFFFE000  }
0xaa: {  	[tilespmem:s1], [sflag:$0x2] =	stream.indirect.gather [hbm4b:s2+s19], $0x80, s28, s19, $0xb8;
	[tilespmem:$0x17400] =	vst v63  }
0xab: {  	_ =	swait.ge [sflag:s13], $0x2000  }
0xac: {  	s14 =	simm.s32 $0xD;
	[sflag:s13] =	ssyncset.done $0x0  }
0xad: {  	s10 =	simm.s32 $0xF400;
	s28 =	sadd.s32 $0x1800, s21;
	[sflag:s13] =	ssyncadd.s32 $0xFFFFE000  }
0xae: {  	[hbm4b:s28+s4] =	stream.linear.scatter [tilespmem:s10], [sflag:$0x11], $0x2000, $0x38;
	[tilespmem:$0x17400] =	vst v63  }
0xaf: {  	_ =	swait.ge [sflag:s14], $0x2000  }
0xb0: {  	[sflag:s14] =	ssyncset.done $0x0  }
0xb1: {  	s11 =	simm.s32 $0x8;
	s28 =	sadd.s32 $0x600, s31;
	[sflag:s14] =	ssyncadd.s32 $0xFFFFE000  }
0xb2: {  	[tilespmem:s23], [sflag:$0x3] =	stream.indirect.gather [hbm4b:s2+s19], $0x80, s28, s19, $0xb8;
	[tilespmem:$0x17400] =	vst v63  }
0xb3: {  	_ =	swait.ge [sflag:s11], $0x2000  }
0xb4: {  	s12 =	simm.s32 $0xE;
	[sflag:s11] =	ssyncset.done $0x0  }
0xb5: {  	s28 =	sadd.s32 $0x1C00, s21;
	[sflag:s11] =	ssyncadd.s32 $0xFFFFE000;
	s11 =	simm.s32 $0x11400  }
0xb6: {  	[hbm4b:s28+s4] =	stream.linear.scatter [tilespmem:s11], [sflag:$0x12], $0x2000, $0x38;
	[tilespmem:$0x17400] =	vst v63  }
0xb7: {  	_ =	swait.ge [sflag:s12], $0x2000  }
0xb8: {  	[sflag:s12] =	ssyncset.done $0x0  }
0xb9: {  	s28 =	sadd.s32 $0x680, s31;
	[sflag:s12] =	ssyncadd.s32 $0xFFFFE000  }
0xba: {  	[tilespmem:s30], [sflag:$0x4] =	stream.indirect.gather [hbm4b:s2+s19], $0x80, s28, s19, $0xb8;
	[tilespmem:$0x17400] =	vst v63  }
0xbb: {  	_ =	swait.ge [sflag:s15], $0x2000  }
0xbc: {  	[sflag:s15] =	ssyncset.done $0x0  }
0xbd: {  	s12 =	simm.s32 $0x13400;
	s28 =	sadd.s32 $0x2000, s21;
	[sflag:s15] =	ssyncadd.s32 $0xFFFFE000  }
0xbe: {  	[hbm4b:s28+s4] =	stream.linear.scatter [tilespmem:s12], [sflag:$0x13], $0x2000, $0x38;
	[tilespmem:$0x17400] =	vst v63  }
0xbf: {  	_ =	swait.ge [sflag:s16], $0x2000  }
0xc0: {  	[sflag:s16] =	ssyncset.done $0x0  }
0xc1: {  	s28 =	sadd.s32 $0x700, s31;
	[sflag:s16] =	ssyncadd.s32 $0xFFFFE000  }
0xc2: {  	[tilespmem:s7], [sflag:$0x5] =	stream.indirect.gather [hbm4b:s2+s19], $0x80, s28, s19, $0xb8;
	[tilespmem:$0x17400] =	vst v63  }
0xc3: {  	_ =	swait.ge [sflag:s5], $0x2000  }
0xc4: {  	[sflag:s5] =	ssyncset.done $0x0  }
0xc5: {  	s14 =	simm.s32 $0x15400;
	s21 =	sadd.s32 $0x2400, s21;
	[sflag:s5] =	ssyncadd.s32 $0xFFFFE000  }
0xc6: {  	[hbm4b:s21+s4] =	stream.linear.scatter [tilespmem:s14], [sflag:$0x14], $0x2000, $0x38;
	[tilespmem:$0x17400] =	vst v63  }
0xc7: {  	_ =	swait.ge [sflag:s18], $0x2000  }
0xc8: {  	[sflag:s18] =	ssyncset.done $0x0  }
0xc9: {  	s13 =	sadd.s32 $0x780, s31;
	[sflag:s18] =	ssyncadd.s32 $0xFFFFE000  }
0xca: {  	[tilespmem:s8], [sflag:$0x6] =	stream.indirect.gather [hbm4b:s2+s19], $0x80, s13, s19, $0xb8;
	[tilespmem:$0x17400] =	vst v63  }
0xcb: {  	_ =	swait.ge [sflag:s9], $0x2000  }
0xcc: {  	s8 =	sshrl.u32 s29, $0x3;
	[sflag:s9] =	ssyncset.done $0x0  }
0xcd: {  	s21 =	sadd.s32 s25, s8;
	[sflag:s9] =	ssyncadd.s32 $0xFFFFE000  }
0xce: {  	[hbm4b:s21+s4] =	stream.linear.scatter [tilespmem:s6], [sflag:$0xB], $0x2000, $0x38;
	[tilespmem:$0x17400] =	vst v63  }
0xcf: {  	_ =	swait.ge [sflag:s17], $0x2000  }
0xd0: {  	[sflag:s17] =	ssyncset.done $0x0  }
0xd1: {  	s13 =	sadd.s32 $0x800, s31;
	[sflag:s17] =	ssyncadd.s32 $0xFFFFE000  }
0xd2: {  	[tilespmem:s10], [sflag:$0x7] =	stream.indirect.gather [hbm4b:s2+s19], $0x80, s13, s19, $0xb8;
	[tilespmem:$0x17400] =	vst v63  }
0xd3: {  	s10 =	simm.s32 $0x2  }
0xd4: {  	_ =	swait.ge [sflag:s10], $0x2000  }
0xd5: {  	s28 =	smov.u32 s25;
	s25 =	rddreg [dreg:$0x8];
	[sflag:s10] =	ssyncset.done $0x0  }
0xd6: {  	[sflag:s10] =	ssyncadd.s32 $0xFFFFE000;
	s21 =	sadd.s32 s26, s25  }
0xd7: {  	[hbm4b:s21+s4] =	stream.linear.scatter [tilespmem:s1], [sflag:$0xC], $0x2000, $0x38;
	[tilespmem:$0x17400] =	vst v63  }
0xd8: {  	_ =	swait.ge [sflag:s3], $0x2000  }
0xd9: {  	[sflag:s3] =	ssyncset.done $0x0  }
0xda: {  	s13 =	sadd.s32 $0x880, s31;
	[sflag:s3] =	ssyncadd.s32 $0xFFFFE000  }
0xdb: {  	[tilespmem:s11], [sflag:$0x8] =	stream.indirect.gather [hbm4b:s2+s19], $0x80, s13, s19, $0xb8;
	[tilespmem:$0x17400] =	vst v63  }
0xdc: {  	s11 =	simm.s32 $0x3  }
0xdd: {  	_ =	swait.ge [sflag:s11], $0x2000  }
0xde: {  	s13 =	rddreg [dreg:$0x7];
	[sflag:s11] =	ssyncset.done $0x0  }
0xdf: {  	[sflag:s11] =	ssyncadd.s32 $0xFFFFE000;
	s21 =	sadd.s32 s26, s13  }
0xe0: {  	[hbm4b:s21+s4] =	stream.linear.scatter [tilespmem:s23], [sflag:$0xD], $0x2000, $0x38;
	[tilespmem:$0x17400] =	vst v63  }
0xe1: {  	_ =	swait.ge [sflag:s20], $0x2000  }
0xe2: {  	[sflag:s20] =	ssyncset.done $0x0  }
0xe3: {  	s21 =	sadd.s32 $0x900, s31;
	[sflag:s20] =	ssyncadd.s32 $0xFFFFE000  }
0xe4: {  	[tilespmem:s12], [sflag:$0x9] =	stream.indirect.gather [hbm4b:s2+s19], $0x80, s21, s19, $0xb8;
	[tilespmem:$0x17400] =	vst v63  }
0xe5: {  	s12 =	simm.s32 $0x4  }
0xe6: {  	_ =	swait.ge [sflag:s12], $0x2000  }
0xe7: {  	s21 =	rddreg [dreg:$0x6];
	[sflag:s12] =	ssyncset.done $0x0  }
0xe8: {  	[sflag:s12] =	ssyncadd.s32 $0xFFFFE000;
	s21 =	sadd.s32 s26, s21  }
0xe9: {  	[hbm4b:s21+s4] =	stream.linear.scatter [tilespmem:s30], [sflag:$0xE], $0x2000, $0x38;
	[tilespmem:$0x17400] =	vst v63  }
0xea: {  	_ =	swait.ge [sflag:s22], $0x2000  }
0xeb: {  	p0 =	sne.s32 s24, $0xA000;
	[sflag:s22] =	ssyncset.done $0x0  }
0xec: {  	s24 =	sadd.s32 $0x1400, s24;
	s21 =	sadd.s32 $0x980, s31;
	[sflag:s22] =	ssyncadd.s32 $0xFFFFE000  }
0xed: {  	[tilespmem:s14], [sflag:$0xA] =	stream.indirect.gather [hbm4b:s2+s19], $0x80, s21, s19, $0xb8;
	[tilespmem:$0x17400] =	vst v63  }
.Ltmp0:
0xee: {  	s0 =	simm.s32 $0xB400;
	s7 =	simm.s32 $0xD400;
	(pc) =	sbr.rel @p0 .LBB2_2-.Ltmp0, $4  }
0xef: {  	s29 =	sadd.s32 $0x14000, s29;
	s8 =	simm.s32 $0xF400;
	s14 =	simm.s32 $0x5  }
0xf0: {  	s25 =	simm.s32 $0x11400;
	s13 =	simm.s32 $0x13400;
	_ =	swait.ge [sflag:s14], $0x2000  }
0xf1: {  	s31 =	simm.s32 $0x15400;
	[sflag:s14] =	ssyncset.done $0x0;
	s21 =	rddreg [dreg:$0x5]  }
0xf2: {  	[sflag:s14] =	ssyncadd.s32 $0xFFFFE000;
	s21 =	sadd.s32 s26, s21;
	s26 =	sadd.s32 $0x2800, s26  }
0xf3: {  	[hbm4b:s21+s4] =	stream.linear.scatter [tilespmem:s0], [sflag:$0xF], $0x2000, $0x38;
	[tilespmem:$0x17400] =	vst v63  }
0xf4: {  	s30 =	simm.s32 $0x6  }
0xf5: {  	_ =	swait.ge [sflag:s30], $0x2000  }
0xf6: {  	[sflag:s30] =	ssyncset.done $0x0  }
0xf7: {  	s1 =	simm.s32 $0x7;
	s0 =	rddreg [dreg:$0xf];
	[sflag:s30] =	ssyncadd.s32 $0xFFFFE000  }
0xf8: {  	[hbm4b:s0+s4] =	stream.linear.scatter [tilespmem:s7], [sflag:$0x10], $0x2000, $0x38;
	[tilespmem:$0x17400] =	vst v63  }
0xf9: {  	_ =	swait.ge [sflag:s1], $0x2000  }
0xfa: {  	[sflag:s1] =	ssyncset.done $0x0  }
0xfb: {  	s7 =	simm.s32 $0x8;
	s6 =	rddreg [dreg:$0x10];
	[sflag:s1] =	ssyncadd.s32 $0xFFFFE000  }
0xfc: {  	[hbm4b:s6+s4] =	stream.linear.scatter [tilespmem:s8], [sflag:$0x11], $0x2000, $0x38;
	[tilespmem:$0x17400] =	vst v63  }
0xfd: {  	_ =	swait.ge [sflag:s7], $0x2000  }
0xfe: {  	[sflag:s7] =	ssyncset.done $0x0  }
0xff: {  	s8 =	rddreg [dreg:$0x11];
	[sflag:s7] =	ssyncadd.s32 $0xFFFFE000  }
0x100: {  	[hbm4b:s8+s4] =	stream.linear.scatter [tilespmem:s25], [sflag:$0x12], $0x2000, $0x38;
	[tilespmem:$0x17400] =	vst v63  }
0x101: {  	_ =	swait.ge [sflag:s15], $0x2000  }
0x102: {  	[sflag:s15] =	ssyncset.done $0x0  }
0x103: {  	s9 =	rddreg [dreg:$0x12];
	[sflag:s15] =	ssyncadd.s32 $0xFFFFE000  }
0x104: {  	[hbm4b:s9+s4] =	stream.linear.scatter [tilespmem:s13], [sflag:$0x13], $0x2000, $0x38;
	[tilespmem:$0x17400] =	vst v63  }
0x105: {  	_ =	swait.ge [sflag:s5], $0x2000  }
0x106: {  	[sflag:s5] =	ssyncset.done $0x0  }
0x107: {  	s24 =	simm.s32 $0xB;
	s23 =	rddreg [dreg:$0x13];
	[sflag:s5] =	ssyncadd.s32 $0xFFFFE000  }
0x108: {  	[hbm4b:s23+s4] =	stream.linear.scatter [tilespmem:s31], [sflag:$0x14], $0x2000, $0x38;
	[tilespmem:$0x17400] =	vst v63  }
0x109: {  	_ =	swait.ge [sflag:s24], $0x2000  }
0x10a: {  	[sflag:s24] =	ssyncset.done $0x0  }
0x10b: {  	s25 =	simm.s32 $0xC;
	[sflag:s24] =	ssyncadd.s32 $0xFFFFE000  }
0x10c: {  	_ =	swait.ge [sflag:s25], $0x2000  }
0x10d: {  	[sflag:s25] =	ssyncset.done $0x0  }
0x10e: {  	s26 =	simm.s32 $0xD;
	[sflag:s25] =	ssyncadd.s32 $0xFFFFE000  }
0x10f: {  	_ =	swait.ge [sflag:s26], $0x2000  }
0x110: {  	[sflag:s26] =	ssyncset.done $0x0  }
0x111: {  	s29 =	simm.s32 $0xE;
	[sflag:s26] =	ssyncadd.s32 $0xFFFFE000  }
0x112: {  	_ =	swait.ge [sflag:s29], $0x2000  }
0x113: {  	[sflag:s29] =	ssyncset.done $0x0  }
0x114: {  	[sflag:s29] =	ssyncadd.s32 $0xFFFFE000  }
0x115: {  	_ =	swait.ge [sflag:s16], $0x2000  }
0x116: {  	[sflag:s16] =	ssyncset.done $0x0  }
0x117: {  	[sflag:s16] =	ssyncadd.s32 $0xFFFFE000  }
0x118: {  	_ =	swait.ge [sflag:s18], $0x2000  }
0x119: {  	[sflag:s18] =	ssyncset.done $0x0  }
0x11a: {  	[sflag:s18] =	ssyncadd.s32 $0xFFFFE000  }
0x11b: {  	_ =	swait.ge [sflag:s17], $0x2000  }
0x11c: {  	[sflag:s17] =	ssyncset.done $0x0  }
0x11d: {  	[sflag:s17] =	ssyncadd.s32 $0xFFFFE000  }
0x11e: {  	_ =	swait.ge [sflag:s3], $0x2000  }
0x11f: {  	[sflag:s3] =	ssyncset.done $0x0  }
0x120: {  	[sflag:s3] =	ssyncadd.s32 $0xFFFFE000  }
0x121: {  	_ =	swait.ge [sflag:s20], $0x2000  }
0x122: {  	[sflag:s20] =	ssyncset.done $0x0  }
0x123: {  	[sflag:s20] =	ssyncadd.s32 $0xFFFFE000  }
0x124: {  	_ =	swait.ge [sflag:s22], $0x2000  }
0x125: {  	s30 =	rddreg [dreg:$0x16]  }
0x126: {  	s31 =	rddreg [dreg:$0x14];
	s0 =	sadd.s32 $0x1, s30  }
0x127: {  	p0 =	sne.s32 s0, s31  }
.Ltmp1:
0x128: {  	_ = 	snop;
	(pc) =	sbr.rel @p0 .LBB2_1-.Ltmp1, $4  }
0x129: {  	_ = 	snop  }
0x12a: {  	s1 =	simm.s32 $0x5400  }
0x12b: {  	s6 =	simm.s32 $0x3400;
	s9 =	simm.s32 $0x1;
	[sflag:s22] =	ssyncset.done $0x0  }
0x12c: {  	s23 =	simm.s32 $0x7400;
	s26 =	simm.s32 $0x9400;
	[sflag:s22] =	ssyncadd.s32 $0xFFFFE000  }
0x12d: {  	_ =	sfence.sel $0x180000  }
0x12e: {  	[bflag:$0x0] =	sbarrier.arrive $0xFFFF  }
0x12f: {  	_ =	strace $0x90000047  }
0x130: {  	s0 =	stileid.u32;
	[bflag:$0x2] =	sbarrier.arrive $0xFFFF  }
0x131: {  	p0 =	sne.s32 s0, $0x0;
	s0 =	rddreg [dreg:$0x3]  }
0x132: {  	s0 =	sadd.s32 @!p0 $0x100000, s0  }
0x133: {  	[sflag:s0] =	ssyncadd.tile.s32 @!p0 $0x1;
	_ =	shalt  }
.Lfunc_end2:
_tile_overlayer_lowered:
.L_overlay_start_2:
0x134: {  	(tag) =	ssettag $0x2  }
0x135: {  	s0 =	rddreg [dreg:$0x0];
	s2 =	stileid.u32  }
0x136: {  	s1 =	rddreg [dreg:$0x1];
	p0 =	sne.s32 s2, $0x0  }
0x137: {  	s3 =	rddreg [dreg:$0x2];
	[bflag:$0x3] =	sbarrier.arrive $0xFFFF;
	s2 =	simm.s32 @!p0 $0x1C15  }
0x138: {  	[timem:s3], [sflag:s2] =	dma.local @!p0 [hbm:s0], s1  }
0x139: {  	s0 =	simm.s32 @!p0 $0x15  }
0x13a: {  	_ =	swait.ge @!p0 [sflag:s0], s1  }
0x13b: {  	s1 =	ssub.s32 @!p0 $0x0, s1;
	[sflag:s0] =	ssyncset.done @!p0 $0x0  }
0x13c: {  	[sflag:s0] =	ssyncadd.s32 @!p0 s1  }
0x13d: {  	[bflag:$0x3] =	sbarrier.arrive $0xFFFF  }
0x13e: {  	_ =	shalt  }

</sc_bundles>
